<compile_context>
chip_gen: v7x
topology: tpu7x:2x2x1
jax: 0.10.2.dev20260603
libtpu: 0.0.44.dev20260713+nightly
codegen_flags: <defaults>
</compile_context>

<pallas_src>
import functools

import jax
import jax.numpy as jnp
from jax import lax
from jax.experimental import pallas as pl
from jax.experimental.pallas import tpu as pltpu
from jax.experimental.pallas import tpu_sc as plsc

_BATCH = 4
_SEQ = 8192
_HIDDEN = 1024
_NC = 2
_NS = 16
_NW = _NC * _NS
_ROWS_PER_W = _SEQ // _NW
_SIZES = (64, 56, 64, 56, 16)
_OFFS = (0, 64, 120, 184, 240)
_NCHUNK = len(_SIZES)


@functools.partial(
    pl.kernel,
    mesh=plsc.VectorSubcoreMesh(core_axis_name="c", subcore_axis_name="s"),
    out_type=jax.ShapeDtypeStruct((_BATCH, _SEQ, _HIDDEN), jnp.float32),
    scratch_types=[
        pltpu.VMEM((64, _HIDDEN), jnp.float32),
        pltpu.VMEM((56, _HIDDEN), jnp.float32),
        pltpu.SemaphoreType.DMA,
        pltpu.SemaphoreType.DMA,
        pltpu.SemaphoreType.DMA,
        pltpu.SemaphoreType.DMA,
    ],
)
def _broadcast_table(table_hbm, out_hbm, buf0, buf1, lsem0, lsem1, ssem0, ssem1):
    wid = lax.axis_index("s") * _NC + lax.axis_index("c")
    base = wid * _ROWS_PER_W
    bufs = (buf0, buf1)
    lsems = (lsem0, lsem1)
    ssems = (ssem0, ssem1)

    def load(i):
        r0 = base + _OFFS[i]
        return pltpu.make_async_copy(
            table_hbm.at[pl.ds(r0, _SIZES[i]), :],
            bufs[i % 2].at[pl.ds(0, _SIZES[i]), :],
            lsems[i % 2])

    def stores(i):
        r0 = base + _OFFS[i]
        return [
            pltpu.make_async_copy(
                bufs[i % 2].at[pl.ds(0, _SIZES[i]), :],
                out_hbm.at[b, pl.ds(r0, _SIZES[i]), :],
                ssems[i % 2])
            for b in range(_BATCH)
        ]

    load(0).start()
    for i in range(_NCHUNK):
        load(i).wait()
        for s in stores(i):
            s.start()
        if i + 1 < _NCHUNK:
            if i >= 1:
                for s in stores(i - 1):
                    s.wait()
            load(i + 1).start()
    for i in (_NCHUNK - 2, _NCHUNK - 1):
        for s in stores(i):
            s.wait()


def kernel(x, table):
    del x
    return _broadcast_table(table)

# --- scband reference (transcript-rebuilt; emitter-appended) ---
"""Pipeline reference for scband-position-embedding-71459665871166 (READ-ONLY COPY).

The authoritative reference and input builder live on the scoring server;
editing this copy changes nothing except your own understanding.
"""

import jax, jax.numpy as jnp
import numpy as np

MAX_LEN = 8192
HIDDEN = 1024
BATCH = 4
SEQ = 8192

def setup_inputs(seed: int = 0) -> dict:
    key = jax.random.key(seed)
    k1, k2 = jax.random.split(key)
    # x contents are irrelevant to the forward (only its shape is used), but build per spec
    x = jax.random.randint(k1, (BATCH, SEQ), 0, 32000, dtype=jnp.int32)
    # learned position embedding table per init_kwargs
    table = jax.random.normal(k2, (MAX_LEN, HIDDEN), dtype=jnp.float32)
    return {"x": x, "table": table}

def reference(x, table):
    # Faithful translation of PositionEmbedding.forward:
    # positions = arange(seq_len) expanded to (batch, seq_len); out = Embedding(positions)
    batch_size, seq_len = x.shape
    positions = jnp.arange(0, seq_len, dtype=jnp.int32)
    positions = jnp.broadcast_to(positions[None, :], (batch_size, seq_len))
    out = jnp.take(table, positions, axis=0)  # gather -> (batch, seq_len, hidden)
    return out

if __name__ == "__main__":
    import jax
    _d = setup_inputs()
    print(jax.jit(kernel)(*tuple(_d.values())))

</pallas_src>

<mosaic_0001>
#map = affine_map<(d0, d1) -> (0, 0)>
#map1 = affine_map<(d0, d1) -> (0, 0, 0)>
module attributes {stable_mosaic.version = 14 : i64} {
  func.func @_broadcast_table(%arg0: i32, %arg1: i32, %arg2: memref<8192x1024xf32, #tpu.memory_space<hbm>>, %arg3: memref<4x8192x1024xf32, #tpu.memory_space<hbm>>, %arg4: memref<64x1024xf32, #tpu.memory_space<vmem>>, %arg5: memref<56x1024xf32, #tpu.memory_space<vmem>>, %arg6: memref<!tpu.dma_semaphore, #tpu.memory_space<semaphore_mem>>, %arg7: memref<!tpu.dma_semaphore, #tpu.memory_space<semaphore_mem>>, %arg8: memref<!tpu.dma_semaphore, #tpu.memory_space<semaphore_mem>>, %arg9: memref<!tpu.dma_semaphore, #tpu.memory_space<semaphore_mem>>) attributes {dimension_semantics = [#tpu.dimension_semantics<core_parallel>, #tpu.dimension_semantics<subcore_parallel>], iteration_bounds = array<i64: 2, 16>, scalar_prefetch = 0 : i64, scratch_operands = 6 : i64, tpu.core_type = #tpu.core_type<sc_vector_subcore>, window_params = [{transform_indices = #map}, {transform_indices = #map1}]} {
    %mul3A = arith.constant 2 : i32
    %mul3A_0 = arith.muli %arg1, %mul3A : i32
    %add3A = arith.addi %mul3A_0, %arg0 : i32
    %mul3A_1 = arith.constant 256 : i32
    %mul3A_2 = arith.muli %add3A, %mul3A_1 : i32
    %add3A_3 = arith.constant 0 : i32
    %add3A_4 = arith.addi %mul3A_2, %add3A_3 : i32
    %dma_start3A = arith.constant 0 : i32
    %dma_start3A_5 = arith.constant 0 : i32
    %dma_start3A_6 = tpu.memref_slice %arg4[%dma_start3A, %dma_start3A_5] : memref<64x1024xf32, #tpu.memory_space<vmem>> -> memref<64x1024xf32, #tpu.memory_space<vmem>>
    %dma_start3A_7 = arith.constant 0 : i32
    %dma_start3A_8 = tpu.memref_slice %arg2[%add3A_4, %dma_start3A_7] : memref<8192x1024xf32, #tpu.memory_space<hbm>> -> memref<64x1024xf32, #tpu.memory_space<hbm>>
    %dma_start3A_9 = arith.constant 0 : i32
    %dma_start3A_10 = arith.constant 0 : i32
    %dma_start3A_11 = tpu.memref_slice %arg4[%dma_start3A_9, %dma_start3A_10] : memref<64x1024xf32, #tpu.memory_space<vmem>> -> memref<64x1024xf32, #tpu.memory_space<vmem>>
    %dma_start3A_12 = arith.constant 0 : i32
    %dma_start3A_13 = tpu.memref_slice %arg2[%add3A_4, %dma_start3A_12] : memref<8192x1024xf32, #tpu.memory_space<hbm>> -> memref<64x1024xf32, #tpu.memory_space<hbm>>
    tpu.enqueue_dma source(%dma_start3A_13 : memref<64x1024xf32, #tpu.memory_space<hbm>>) target(%dma_start3A_11 : memref<64x1024xf32, #tpu.memory_space<vmem>>) target_semaphore(%arg6 : memref<!tpu.dma_semaphore, #tpu.memory_space<semaphore_mem>>)
    %add3A_14 = arith.constant 0 : i32
    %add3A_15 = arith.addi %mul3A_2, %add3A_14 : i32
    %dma_wait3A = arith.constant 0 : i32
    %dma_wait3A_16 = arith.constant 0 : i32
    %dma_wait3A_17 = tpu.memref_slice %arg4[%dma_wait3A, %dma_wait3A_16] : memref<64x1024xf32, #tpu.memory_space<vmem>> -> memref<64x1024xf32, #tpu.memory_space<vmem>>
    %dma_wait3A_18 = arith.constant 0 : i32
    %dma_wait3A_19 = tpu.memref_slice %arg2[%add3A_15, %dma_wait3A_18] : memref<8192x1024xf32, #tpu.memory_space<hbm>> -> memref<64x1024xf32, #tpu.memory_space<hbm>>
    %dma_wait3A_20 = arith.constant 0 : i32
    %dma_wait3A_21 = arith.constant 0 : i32
    %dma_wait3A_22 = tpu.memref_slice %arg4[%dma_wait3A_20, %dma_wait3A_21] : memref<64x1024xf32, #tpu.memory_space<vmem>> -> memref<64x1024xf32, #tpu.memory_space<vmem>>
    %dma_wait3A_23 = arith.constant 0 : i32
    %dma_wait3A_24 = tpu.memref_slice %arg2[%add3A_15, %dma_wait3A_23] : memref<8192x1024xf32, #tpu.memory_space<hbm>> -> memref<64x1024xf32, #tpu.memory_space<hbm>>
    tpu.wait_dma2 semaphore(%arg6 : memref<!tpu.dma_semaphore, #tpu.memory_space<semaphore_mem>>) src(%dma_wait3A_24 : memref<64x1024xf32, #tpu.memory_space<hbm>>) dst(%dma_wait3A_22 : memref<64x1024xf32, #tpu.memory_space<vmem>>)
    %add3A_25 = arith.constant 0 : i32
    %add3A_26 = arith.addi %mul3A_2, %add3A_25 : i32
    %dma_start3A_27 = arith.constant 0 : i32
    %dma_start3A_28 = arith.constant 0 : i32
    %dma_start3A_29 = arith.constant 0 : i32
    %dma_start3A_30 = tpu.memref_slice %arg4[%dma_start3A_28, %dma_start3A_29] : memref<64x1024xf32, #tpu.memory_space<vmem>> -> memref<64x1024xf32, #tpu.memory_space<vmem>>
    %dma_start3A_31 = arith.constant 0 : i32
    %dma_start3A_32 = tpu.memref_slice %arg3[%dma_start3A_27, %add3A_26, %dma_start3A_31] : memref<4x8192x1024xf32, #tpu.memory_space<hbm>> -> memref<1x64x1024xf32, #tpu.memory_space<hbm>>
    %dma_start3A_33 = tpu.memref_squeeze %dma_start3A_32 : memref<1x64x1024xf32, #tpu.memory_space<hbm>> -> memref<64x1024xf32, #tpu.memory_space<hbm>>
    %dma_start3A_34 = arith.constant 0 : i32
    %dma_start3A_35 = tpu.memref_slice %arg3[%dma_start3A_27, %add3A_26, %dma_start3A_34] : memref<4x8192x1024xf32, #tpu.memory_space<hbm>> -> memref<1x64x1024xf32, #tpu.memory_space<hbm>>
    %dma_start3A_36 = tpu.memref_squeeze %dma_start3A_35 : memref<1x64x1024xf32, #tpu.memory_space<hbm>> -> memref<64x1024xf32, #tpu.memory_space<hbm>>
    %dma_start3A_37 = arith.constant 0 : i32
    %dma_start3A_38 = arith.constant 0 : i32
    %dma_start3A_39 = tpu.memref_slice %arg4[%dma_start3A_37, %dma_start3A_38] : memref<64x1024xf32, #tpu.memory_space<vmem>> -> memref<64x1024xf32, #tpu.memory_space<vmem>>
    tpu.enqueue_dma source(%dma_start3A_39 : memref<64x1024xf32, #tpu.memory_space<vmem>>) target(%dma_start3A_36 : memref<64x1024xf32, #tpu.memory_space<hbm>>) target_semaphore(%arg8 : memref<!tpu.dma_semaphore, #tpu.memory_space<semaphore_mem>>)
    %dma_start3A_40 = arith.constant 1 : i32
    %dma_start3A_41 = arith.constant 0 : i32
    %dma_start3A_42 = arith.constant 0 : i32
    %dma_start3A_43 = tpu.memref_slice %arg4[%dma_start3A_41, %dma_start3A_42] : memref<64x1024xf32, #tpu.memory_space<vmem>> -> memref<64x1024xf32, #tpu.memory_space<vmem>>
    %dma_start3A_44 = arith.constant 0 : i32
    %dma_start3A_45 = tpu.memref_slice %arg3[%dma_start3A_40, %add3A_26, %dma_start3A_44] : memref<4x8192x1024xf32, #tpu.memory_space<hbm>> -> memref<1x64x1024xf32, #tpu.memory_space<hbm>>
    %dma_start3A_46 = tpu.memref_squeeze %dma_start3A_45 : memref<1x64x1024xf32, #tpu.memory_space<hbm>> -> memref<64x1024xf32, #tpu.memory_space<hbm>>
    %dma_start3A_47 = arith.constant 0 : i32
    %dma_start3A_48 = tpu.memref_slice %arg3[%dma_start3A_40, %add3A_26, %dma_start3A_47] : memref<4x8192x1024xf32, #tpu.memory_space<hbm>> -> memref<1x64x1024xf32, #tpu.memory_space<hbm>>
    %dma_start3A_49 = tpu.memref_squeeze %dma_start3A_48 : memref<1x64x1024xf32, #tpu.memory_space<hbm>> -> memref<64x1024xf32, #tpu.memory_space<hbm>>
    %dma_start3A_50 = arith.constant 0 : i32
    %dma_start3A_51 = arith.constant 0 : i32
    %dma_start3A_52 = tpu.memref_slice %arg4[%dma_start3A_50, %dma_start3A_51] : memref<64x1024xf32, #tpu.memory_space<vmem>> -> memref<64x1024xf32, #tpu.memory_space<vmem>>
    tpu.enqueue_dma source(%dma_start3A_52 : memref<64x1024xf32, #tpu.memory_space<vmem>>) target(%dma_start3A_49 : memref<64x1024xf32, #tpu.memory_space<hbm>>) target_semaphore(%arg8 : memref<!tpu.dma_semaphore, #tpu.memory_space<semaphore_mem>>)
    %dma_start3A_53 = arith.constant 2 : i32
    %dma_start3A_54 = arith.constant 0 : i32
    %dma_start3A_55 = arith.constant 0 : i32
    %dma_start3A_56 = tpu.memref_slice %arg4[%dma_start3A_54, %dma_start3A_55] : memref<64x1024xf32, #tpu.memory_space<vmem>> -> memref<64x1024xf32, #tpu.memory_space<vmem>>
    %dma_start3A_57 = arith.constant 0 : i32
    %dma_start3A_58 = tpu.memref_slice %arg3[%dma_start3A_53, %add3A_26, %dma_start3A_57] : memref<4x8192x1024xf32, #tpu.memory_space<hbm>> -> memref<1x64x1024xf32, #tpu.memory_space<hbm>>
    %dma_start3A_59 = tpu.memref_squeeze %dma_start3A_58 : memref<1x64x1024xf32, #tpu.memory_space<hbm>> -> memref<64x1024xf32, #tpu.memory_space<hbm>>
    %dma_start3A_60 = arith.constant 0 : i32
    %dma_start3A_61 = tpu.memref_slice %arg3[%dma_start3A_53, %add3A_26, %dma_start3A_60] : memref<4x8192x1024xf32, #tpu.memory_space<hbm>> -> memref<1x64x1024xf32, #tpu.memory_space<hbm>>
    %dma_start3A_62 = tpu.memref_squeeze %dma_start3A_61 : memref<1x64x1024xf32, #tpu.memory_space<hbm>> -> memref<64x1024xf32, #tpu.memory_space<hbm>>
    %dma_start3A_63 = arith.constant 0 : i32
    %dma_start3A_64 = arith.constant 0 : i32
    %dma_start3A_65 = tpu.memref_slice %arg4[%dma_start3A_63, %dma_start3A_64] : memref<64x1024xf32, #tpu.memory_space<vmem>> -> memref<64x1024xf32, #tpu.memory_space<vmem>>
    tpu.enqueue_dma source(%dma_start3A_65 : memref<64x1024xf32, #tpu.memory_space<vmem>>) target(%dma_start3A_62 : memref<64x1024xf32, #tpu.memory_space<hbm>>) target_semaphore(%arg8 : memref<!tpu.dma_semaphore, #tpu.memory_space<semaphore_mem>>)
    %dma_start3A_66 = arith.constant 3 : i32
    %dma_start3A_67 = arith.constant 0 : i32
    %dma_start3A_68 = arith.constant 0 : i32
    %dma_start3A_69 = tpu.memref_slice %arg4[%dma_start3A_67, %dma_start3A_68] : memref<64x1024xf32, #tpu.memory_space<vmem>> -> memref<64x1024xf32, #tpu.memory_space<vmem>>
    %dma_start3A_70 = arith.constant 0 : i32
    %dma_start3A_71 = tpu.memref_slice %arg3[%dma_start3A_66, %add3A_26, %dma_start3A_70] : memref<4x8192x1024xf32, #tpu.memory_space<hbm>> -> memref<1x64x1024xf32, #tpu.memory_space<hbm>>
    %dma_start3A_72 = tpu.memref_squeeze %dma_start3A_71 : memref<1x64x1024xf32, #tpu.memory_space<hbm>> -> memref<64x1024xf32, #tpu.memory_space<hbm>>
    %dma_start3A_73 = arith.constant 0 : i32
    %dma_start3A_74 = tpu.memref_slice %arg3[%dma_start3A_66, %add3A_26, %dma_start3A_73] : memref<4x8192x1024xf32, #tpu.memory_space<hbm>> -> memref<1x64x1024xf32, #tpu.memory_space<hbm>>
    %dma_start3A_75 = tpu.memref_squeeze %dma_start3A_74 : memref<1x64x1024xf32, #tpu.memory_space<hbm>> -> memref<64x1024xf32, #tpu.memory_space<hbm>>
    %dma_start3A_76 = arith.constant 0 : i32
    %dma_start3A_77 = arith.constant 0 : i32
    %dma_start3A_78 = tpu.memref_slice %arg4[%dma_start3A_76, %dma_start3A_77] : memref<64x1024xf32, #tpu.memory_space<vmem>> -> memref<64x1024xf32, #tpu.memory_space<vmem>>
    tpu.enqueue_dma source(%dma_start3A_78 : memref<64x1024xf32, #tpu.memory_space<vmem>>) target(%dma_start3A_75 : memref<64x1024xf32, #tpu.memory_space<hbm>>) target_semaphore(%arg8 : memref<!tpu.dma_semaphore, #tpu.memory_space<semaphore_mem>>)
    %add3A_79 = arith.constant 64 : i32
    %add3A_80 = arith.addi %mul3A_2, %add3A_79 : i32
    %dma_start3A_81 = arith.constant 0 : i32
    %dma_start3A_82 = arith.constant 0 : i32
    %dma_start3A_83 = tpu.memref_slice %arg5[%dma_start3A_81, %dma_start3A_82] : memref<56x1024xf32, #tpu.memory_space<vmem>> -> memref<56x1024xf32, #tpu.memory_space<vmem>>
    %dma_start3A_84 = arith.constant 0 : i32
    %dma_start3A_85 = tpu.memref_slice %arg2[%add3A_80, %dma_start3A_84] : memref<8192x1024xf32, #tpu.memory_space<hbm>> -> memref<56x1024xf32, #tpu.memory_space<hbm>>
    %dma_start3A_86 = arith.constant 0 : i32
    %dma_start3A_87 = arith.constant 0 : i32
    %dma_start3A_88 = tpu.memref_slice %arg5[%dma_start3A_86, %dma_start3A_87] : memref<56x1024xf32, #tpu.memory_space<vmem>> -> memref<56x1024xf32, #tpu.memory_space<vmem>>
    %dma_start3A_89 = arith.constant 0 : i32
    %dma_start3A_90 = tpu.memref_slice %arg2[%add3A_80, %dma_start3A_89] : memref<8192x1024xf32, #tpu.memory_space<hbm>> -> memref<56x1024xf32, #tpu.memory_space<hbm>>
    tpu.enqueue_dma source(%dma_start3A_90 : memref<56x1024xf32, #tpu.memory_space<hbm>>) target(%dma_start3A_88 : memref<56x1024xf32, #tpu.memory_space<vmem>>) target_semaphore(%arg7 : memref<!tpu.dma_semaphore, #tpu.memory_space<semaphore_mem>>)
    %add3A_91 = arith.constant 64 : i32
    %add3A_92 = arith.addi %mul3A_2, %add3A_91 : i32
    %dma_wait3A_93 = arith.constant 0 : i32
    %dma_wait3A_94 = arith.constant 0 : i32
    %dma_wait3A_95 = tpu.memref_slice %arg5[%dma_wait3A_93, %dma_wait3A_94] : memref<56x1024xf32, #tpu.memory_space<vmem>> -> memref<56x1024xf32, #tpu.memory_space<vmem>>
    %dma_wait3A_96 = arith.constant 0 : i32
    %dma_wait3A_97 = tpu.memref_slice %arg2[%add3A_92, %dma_wait3A_96] : memref<8192x1024xf32, #tpu.memory_space<hbm>> -> memref<56x1024xf32, #tpu.memory_space<hbm>>
    %dma_wait3A_98 = arith.constant 0 : i32
    %dma_wait3A_99 = arith.constant 0 : i32
    %dma_wait3A_100 = tpu.memref_slice %arg5[%dma_wait3A_98, %dma_wait3A_99] : memref<56x1024xf32, #tpu.memory_space<vmem>> -> memref<56x1024xf32, #tpu.memory_space<vmem>>
    %dma_wait3A_101 = arith.constant 0 : i32
    %dma_wait3A_102 = tpu.memref_slice %arg2[%add3A_92, %dma_wait3A_101] : memref<8192x1024xf32, #tpu.memory_space<hbm>> -> memref<56x1024xf32, #tpu.memory_space<hbm>>
    tpu.wait_dma2 semaphore(%arg7 : memref<!tpu.dma_semaphore, #tpu.memory_space<semaphore_mem>>) src(%dma_wait3A_102 : memref<56x1024xf32, #tpu.memory_space<hbm>>) dst(%dma_wait3A_100 : memref<56x1024xf32, #tpu.memory_space<vmem>>)
    %add3A_103 = arith.constant 64 : i32
    %add3A_104 = arith.addi %mul3A_2, %add3A_103 : i32
    %dma_start3A_105 = arith.constant 0 : i32
    %dma_start3A_106 = arith.constant 0 : i32
    %dma_start3A_107 = arith.constant 0 : i32
    %dma_start3A_108 = tpu.memref_slice %arg5[%dma_start3A_106, %dma_start3A_107] : memref<56x1024xf32, #tpu.memory_space<vmem>> -> memref<56x1024xf32, #tpu.memory_space<vmem>>
    %dma_start3A_109 = arith.constant 0 : i32
    %dma_start3A_110 = tpu.memref_slice %arg3[%dma_start3A_105, %add3A_104, %dma_start3A_109] : memref<4x8192x1024xf32, #tpu.memory_space<hbm>> -> memref<1x56x1024xf32, #tpu.memory_space<hbm>>
    %dma_start3A_111 = tpu.memref_squeeze %dma_start3A_110 : memref<1x56x1024xf32, #tpu.memory_space<hbm>> -> memref<56x1024xf32, #tpu.memory_space<hbm>>
    %dma_start3A_112 = arith.constant 0 : i32
    %dma_start3A_113 = tpu.memref_slice %arg3[%dma_start3A_105, %add3A_104, %dma_start3A_112] : memref<4x8192x1024xf32, #tpu.memory_space<hbm>> -> memref<1x56x1024xf32, #tpu.memory_space<hbm>>
    %dma_start3A_114 = tpu.memref_squeeze %dma_start3A_113 : memref<1x56x1024xf32, #tpu.memory_space<hbm>> -> memref<56x1024xf32, #tpu.memory_space<hbm>>
    %dma_start3A_115 = arith.constant 0 : i32
    %dma_start3A_116 = arith.constant 0 : i32
    %dma_start3A_117 = tpu.memref_slice %arg5[%dma_start3A_115, %dma_start3A_116] : memref<56x1024xf32, #tpu.memory_space<vmem>> -> memref<56x1024xf32, #tpu.memory_space<vmem>>
    tpu.enqueue_dma source(%dma_start3A_117 : memref<56x1024xf32, #tpu.memory_space<vmem>>) target(%dma_start3A_114 : memref<56x1024xf32, #tpu.memory_space<hbm>>) target_semaphore(%arg9 : memref<!tpu.dma_semaphore, #tpu.memory_space<semaphore_mem>>)
    %dma_start3A_118 = arith.constant 1 : i32
    %dma_start3A_119 = arith.constant 0 : i32
    %dma_start3A_120 = arith.constant 0 : i32
    %dma_start3A_121 = tpu.memref_slice %arg5[%dma_start3A_119, %dma_start3A_120] : memref<56x1024xf32, #tpu.memory_space<vmem>> -> memref<56x1024xf32, #tpu.memory_space<vmem>>
    %dma_start3A_122 = arith.constant 0 : i32
    %dma_start3A_123 = tpu.memref_slice %arg3[%dma_start3A_118, %add3A_104, %dma_start3A_122] : memref<4x8192x1024xf32, #tpu.memory_space<hbm>> -> memref<1x56x1024xf32, #tpu.memory_space<hbm>>
    %dma_start3A_124 = tpu.memref_squeeze %dma_start3A_123 : memref<1x56x1024xf32, #tpu.memory_space<hbm>> -> memref<56x1024xf32, #tpu.memory_space<hbm>>
    %dma_start3A_125 = arith.constant 0 : i32
    %dma_start3A_126 = tpu.memref_slice %arg3[%dma_start3A_118, %add3A_104, %dma_start3A_125] : memref<4x8192x1024xf32, #tpu.memory_space<hbm>> -> memref<1x56x1024xf32, #tpu.memory_space<hbm>>
    %dma_start3A_127 = tpu.memref_squeeze %dma_start3A_126 : memref<1x56x1024xf32, #tpu.memory_space<hbm>> -> memref<56x1024xf32, #tpu.memory_space<hbm>>
    %dma_start3A_128 = arith.constant 0 : i32
    %dma_start3A_129 = arith.constant 0 : i32
    %dma_start3A_130 = tpu.memref_slice %arg5[%dma_start3A_128, %dma_start3A_129] : memref<56x1024xf32, #tpu.memory_space<vmem>> -> memref<56x1024xf32, #tpu.memory_space<vmem>>
    tpu.enqueue_dma source(%dma_start3A_130 : memref<56x1024xf32, #tpu.memory_space<vmem>>) target(%dma_start3A_127 : memref<56x1024xf32, #tpu.memory_space<hbm>>) target_semaphore(%arg9 : memref<!tpu.dma_semaphore, #tpu.memory_space<semaphore_mem>>)
    %dma_start3A_131 = arith.constant 2 : i32
    %dma_start3A_132 = arith.constant 0 : i32
    %dma_start3A_133 = arith.constant 0 : i32
    %dma_start3A_134 = tpu.memref_slice %arg5[%dma_start3A_132, %dma_start3A_133] : memref<56x1024xf32, #tpu.memory_space<vmem>> -> memref<56x1024xf32, #tpu.memory_space<vmem>>
    %dma_start3A_135 = arith.constant 0 : i32
    %dma_start3A_136 = tpu.memref_slice %arg3[%dma_start3A_131, %add3A_104, %dma_start3A_135] : memref<4x8192x1024xf32, #tpu.memory_space<hbm>> -> memref<1x56x1024xf32, #tpu.memory_space<hbm>>
    %dma_start3A_137 = tpu.memref_squeeze %dma_start3A_136 : memref<1x56x1024xf32, #tpu.memory_space<hbm>> -> memref<56x1024xf32, #tpu.memory_space<hbm>>
    %dma_start3A_138 = arith.constant 0 : i32
    %dma_start3A_139 = tpu.memref_slice %arg3[%dma_start3A_131, %add3A_104, %dma_start3A_138] : memref<4x8192x1024xf32, #tpu.memory_space<hbm>> -> memref<1x56x1024xf32, #tpu.memory_space<hbm>>
    %dma_start3A_140 = tpu.memref_squeeze %dma_start3A_139 : memref<1x56x1024xf32, #tpu.memory_space<hbm>> -> memref<56x1024xf32, #tpu.memory_space<hbm>>
    %dma_start3A_141 = arith.constant 0 : i32
    %dma_start3A_142 = arith.constant 0 : i32
    %dma_start3A_143 = tpu.memref_slice %arg5[%dma_start3A_141, %dma_start3A_142] : memref<56x1024xf32, #tpu.memory_space<vmem>> -> memref<56x1024xf32, #tpu.memory_space<vmem>>
    tpu.enqueue_dma source(%dma_start3A_143 : memref<56x1024xf32, #tpu.memory_space<vmem>>) target(%dma_start3A_140 : memref<56x1024xf32, #tpu.memory_space<hbm>>) target_semaphore(%arg9 : memref<!tpu.dma_semaphore, #tpu.memory_space<semaphore_mem>>)
    %dma_start3A_144 = arith.constant 3 : i32
    %dma_start3A_145 = arith.constant 0 : i32
    %dma_start3A_146 = arith.constant 0 : i32
    %dma_start3A_147 = tpu.memref_slice %arg5[%dma_start3A_145, %dma_start3A_146] : memref<56x1024xf32, #tpu.memory_space<vmem>> -> memref<56x1024xf32, #tpu.memory_space<vmem>>
    %dma_start3A_148 = arith.constant 0 : i32
    %dma_start3A_149 = tpu.memref_slice %arg3[%dma_start3A_144, %add3A_104, %dma_start3A_148] : memref<4x8192x1024xf32, #tpu.memory_space<hbm>> -> memref<1x56x1024xf32, #tpu.memory_space<hbm>>
    %dma_start3A_150 = tpu.memref_squeeze %dma_start3A_149 : memref<1x56x1024xf32, #tpu.memory_space<hbm>> -> memref<56x1024xf32, #tpu.memory_space<hbm>>
    %dma_start3A_151 = arith.constant 0 : i32
    %dma_start3A_152 = tpu.memref_slice %arg3[%dma_start3A_144, %add3A_104, %dma_start3A_151] : memref<4x8192x1024xf32, #tpu.memory_space<hbm>> -> memref<1x56x1024xf32, #tpu.memory_space<hbm>>
    %dma_start3A_153 = tpu.memref_squeeze %dma_start3A_152 : memref<1x56x1024xf32, #tpu.memory_space<hbm>> -> memref<56x1024xf32, #tpu.memory_space<hbm>>
    %dma_start3A_154 = arith.constant 0 : i32
    %dma_start3A_155 = arith.constant 0 : i32
    %dma_start3A_156 = tpu.memref_slice %arg5[%dma_start3A_154, %dma_start3A_155] : memref<56x1024xf32, #tpu.memory_space<vmem>> -> memref<56x1024xf32, #tpu.memory_space<vmem>>
    tpu.enqueue_dma source(%dma_start3A_156 : memref<56x1024xf32, #tpu.memory_space<vmem>>) target(%dma_start3A_153 : memref<56x1024xf32, #tpu.memory_space<hbm>>) target_semaphore(%arg9 : memref<!tpu.dma_semaphore, #tpu.memory_space<semaphore_mem>>)
    %add3A_157 = arith.constant 0 : i32
    %add3A_158 = arith.addi %mul3A_2, %add3A_157 : i32
    %dma_wait3A_159 = arith.constant 0 : i32
    %dma_wait3A_160 = arith.constant 0 : i32
    %dma_wait3A_161 = arith.constant 0 : i32
    %dma_wait3A_162 = tpu.memref_slice %arg4[%dma_wait3A_160, %dma_wait3A_161] : memref<64x1024xf32, #tpu.memory_space<vmem>> -> memref<64x1024xf32, #tpu.memory_space<vmem>>
    %dma_wait3A_163 = arith.constant 0 : i32
    %dma_wait3A_164 = tpu.memref_slice %arg3[%dma_wait3A_159, %add3A_158, %dma_wait3A_163] : memref<4x8192x1024xf32, #tpu.memory_space<hbm>> -> memref<1x64x1024xf32, #tpu.memory_space<hbm>>
    %dma_wait3A_165 = tpu.memref_squeeze %dma_wait3A_164 : memref<1x64x1024xf32, #tpu.memory_space<hbm>> -> memref<64x1024xf32, #tpu.memory_space<hbm>>
    %dma_wait3A_166 = arith.constant 0 : i32
    %dma_wait3A_167 = tpu.memref_slice %arg3[%dma_wait3A_159, %add3A_158, %dma_wait3A_166] : memref<4x8192x1024xf32, #tpu.memory_space<hbm>> -> memref<1x64x1024xf32, #tpu.memory_space<hbm>>
    %dma_wait3A_168 = tpu.memref_squeeze %dma_wait3A_167 : memref<1x64x1024xf32, #tpu.memory_space<hbm>> -> memref<64x1024xf32, #tpu.memory_space<hbm>>
    %dma_wait3A_169 = arith.constant 0 : i32
    %dma_wait3A_170 = arith.constant 0 : i32
    %dma_wait3A_171 = tpu.memref_slice %arg4[%dma_wait3A_169, %dma_wait3A_170] : memref<64x1024xf32, #tpu.memory_space<vmem>> -> memref<64x1024xf32, #tpu.memory_space<vmem>>
    tpu.wait_dma2 semaphore(%arg8 : memref<!tpu.dma_semaphore, #tpu.memory_space<semaphore_mem>>) src(%dma_wait3A_171 : memref<64x1024xf32, #tpu.memory_space<vmem>>) dst(%dma_wait3A_168 : memref<64x1024xf32, #tpu.memory_space<hbm>>)
    %dma_wait3A_172 = arith.constant 1 : i32
    %dma_wait3A_173 = arith.constant 0 : i32
    %dma_wait3A_174 = arith.constant 0 : i32
    %dma_wait3A_175 = tpu.memref_slice %arg4[%dma_wait3A_173, %dma_wait3A_174] : memref<64x1024xf32, #tpu.memory_space<vmem>> -> memref<64x1024xf32, #tpu.memory_space<vmem>>
    %dma_wait3A_176 = arith.constant 0 : i32
    %dma_wait3A_177 = tpu.memref_slice %arg3[%dma_wait3A_172, %add3A_158, %dma_wait3A_176] : memref<4x8192x1024xf32, #tpu.memory_space<hbm>> -> memref<1x64x1024xf32, #tpu.memory_space<hbm>>
    %dma_wait3A_178 = tpu.memref_squeeze %dma_wait3A_177 : memref<1x64x1024xf32, #tpu.memory_space<hbm>> -> memref<64x1024xf32, #tpu.memory_space<hbm>>
    %dma_wait3A_179 = arith.constant 0 : i32
    %dma_wait3A_180 = tpu.memref_slice %arg3[%dma_wait3A_172, %add3A_158, %dma_wait3A_179] : memref<4x8192x1024xf32, #tpu.memory_space<hbm>> -> memref<1x64x1024xf32, #tpu.memory_space<hbm>>
    %dma_wait3A_181 = tpu.memref_squeeze %dma_wait3A_180 : memref<1x64x1024xf32, #tpu.memory_space<hbm>> -> memref<64x1024xf32, #tpu.memory_space<hbm>>
    %dma_wait3A_182 = arith.constant 0 : i32
    %dma_wait3A_183 = arith.constant 0 : i32
    %dma_wait3A_184 = tpu.memref_slice %arg4[%dma_wait3A_182, %dma_wait3A_183] : memref<64x1024xf32, #tpu.memory_space<vmem>> -> memref<64x1024xf32, #tpu.memory_space<vmem>>
    tpu.wait_dma2 semaphore(%arg8 : memref<!tpu.dma_semaphore, #tpu.memory_space<semaphore_mem>>) src(%dma_wait3A_184 : memref<64x1024xf32, #tpu.memory_space<vmem>>) dst(%dma_wait3A_181 : memref<64x1024xf32, #tpu.memory_space<hbm>>)
    %dma_wait3A_185 = arith.constant 2 : i32
    %dma_wait3A_186 = arith.constant 0 : i32
    %dma_wait3A_187 = arith.constant 0 : i32
    %dma_wait3A_188 = tpu.memref_slice %arg4[%dma_wait3A_186, %dma_wait3A_187] : memref<64x1024xf32, #tpu.memory_space<vmem>> -> memref<64x1024xf32, #tpu.memory_space<vmem>>
    %dma_wait3A_189 = arith.constant 0 : i32
    %dma_wait3A_190 = tpu.memref_slice %arg3[%dma_wait3A_185, %add3A_158, %dma_wait3A_189] : memref<4x8192x1024xf32, #tpu.memory_space<hbm>> -> memref<1x64x1024xf32, #tpu.memory_space<hbm>>
    %dma_wait3A_191 = tpu.memref_squeeze %dma_wait3A_190 : memref<1x64x1024xf32, #tpu.memory_space<hbm>> -> memref<64x1024xf32, #tpu.memory_space<hbm>>
    %dma_wait3A_192 = arith.constant 0 : i32
    %dma_wait3A_193 = tpu.memref_slice %arg3[%dma_wait3A_185, %add3A_158, %dma_wait3A_192] : memref<4x8192x1024xf32, #tpu.memory_space<hbm>> -> memref<1x64x1024xf32, #tpu.memory_space<hbm>>
    %dma_wait3A_194 = tpu.memref_squeeze %dma_wait3A_193 : memref<1x64x1024xf32, #tpu.memory_space<hbm>> -> memref<64x1024xf32, #tpu.memory_space<hbm>>
    %dma_wait3A_195 = arith.constant 0 : i32
    %dma_wait3A_196 = arith.constant 0 : i32
    %dma_wait3A_197 = tpu.memref_slice %arg4[%dma_wait3A_195, %dma_wait3A_196] : memref<64x1024xf32, #tpu.memory_space<vmem>> -> memref<64x1024xf32, #tpu.memory_space<vmem>>
    tpu.wait_dma2 semaphore(%arg8 : memref<!tpu.dma_semaphore, #tpu.memory_space<semaphore_mem>>) src(%dma_wait3A_197 : memref<64x1024xf32, #tpu.memory_space<vmem>>) dst(%dma_wait3A_194 : memref<64x1024xf32, #tpu.memory_space<hbm>>)
    %dma_wait3A_198 = arith.constant 3 : i32
    %dma_wait3A_199 = arith.constant 0 : i32
    %dma_wait3A_200 = arith.constant 0 : i32
    %dma_wait3A_201 = tpu.memref_slice %arg4[%dma_wait3A_199, %dma_wait3A_200] : memref<64x1024xf32, #tpu.memory_space<vmem>> -> memref<64x1024xf32, #tpu.memory_space<vmem>>
    %dma_wait3A_202 = arith.constant 0 : i32
    %dma_wait3A_203 = tpu.memref_slice %arg3[%dma_wait3A_198, %add3A_158, %dma_wait3A_202] : memref<4x8192x1024xf32, #tpu.memory_space<hbm>> -> memref<1x64x1024xf32, #tpu.memory_space<hbm>>
    %dma_wait3A_204 = tpu.memref_squeeze %dma_wait3A_203 : memref<1x64x1024xf32, #tpu.memory_space<hbm>> -> memref<64x1024xf32, #tpu.memory_space<hbm>>
    %dma_wait3A_205 = arith.constant 0 : i32
    %dma_wait3A_206 = tpu.memref_slice %arg3[%dma_wait3A_198, %add3A_158, %dma_wait3A_205] : memref<4x8192x1024xf32, #tpu.memory_space<hbm>> -> memref<1x64x1024xf32, #tpu.memory_space<hbm>>
    %dma_wait3A_207 = tpu.memref_squeeze %dma_wait3A_206 : memref<1x64x1024xf32, #tpu.memory_space<hbm>> -> memref<64x1024xf32, #tpu.memory_space<hbm>>
    %dma_wait3A_208 = arith.constant 0 : i32
    %dma_wait3A_209 = arith.constant 0 : i32
    %dma_wait3A_210 = tpu.memref_slice %arg4[%dma_wait3A_208, %dma_wait3A_209] : memref<64x1024xf32, #tpu.memory_space<vmem>> -> memref<64x1024xf32, #tpu.memory_space<vmem>>
    tpu.wait_dma2 semaphore(%arg8 : memref<!tpu.dma_semaphore, #tpu.memory_space<semaphore_mem>>) src(%dma_wait3A_210 : memref<64x1024xf32, #tpu.memory_space<vmem>>) dst(%dma_wait3A_207 : memref<64x1024xf32, #tpu.memory_space<hbm>>)
    %add3A_211 = arith.constant 120 : i32
    %add3A_212 = arith.addi %mul3A_2, %add3A_211 : i32
    %dma_start3A_213 = arith.constant 0 : i32
    %dma_start3A_214 = arith.constant 0 : i32
    %dma_start3A_215 = tpu.memref_slice %arg4[%dma_start3A_213, %dma_start3A_214] : memref<64x1024xf32, #tpu.memory_space<vmem>> -> memref<64x1024xf32, #tpu.memory_space<vmem>>
    %dma_start3A_216 = arith.constant 0 : i32
    %dma_start3A_217 = tpu.memref_slice %arg2[%add3A_212, %dma_start3A_216] : memref<8192x1024xf32, #tpu.memory_space<hbm>> -> memref<64x1024xf32, #tpu.memory_space<hbm>>
    %dma_start3A_218 = arith.constant 0 : i32
    %dma_start3A_219 = arith.constant 0 : i32
    %dma_start3A_220 = tpu.memref_slice %arg4[%dma_start3A_218, %dma_start3A_219] : memref<64x1024xf32, #tpu.memory_space<vmem>> -> memref<64x1024xf32, #tpu.memory_space<vmem>>
    %dma_start3A_221 = arith.constant 0 : i32
    %dma_start3A_222 = tpu.memref_slice %arg2[%add3A_212, %dma_start3A_221] : memref<8192x1024xf32, #tpu.memory_space<hbm>> -> memref<64x1024xf32, #tpu.memory_space<hbm>>
    tpu.enqueue_dma source(%dma_start3A_222 : memref<64x1024xf32, #tpu.memory_space<hbm>>) target(%dma_start3A_220 : memref<64x1024xf32, #tpu.memory_space<vmem>>) target_semaphore(%arg6 : memref<!tpu.dma_semaphore, #tpu.memory_space<semaphore_mem>>)
    %add3A_223 = arith.constant 120 : i32
    %add3A_224 = arith.addi %mul3A_2, %add3A_223 : i32
    %dma_wait3A_225 = arith.constant 0 : i32
    %dma_wait3A_226 = arith.constant 0 : i32
    %dma_wait3A_227 = tpu.memref_slice %arg4[%dma_wait3A_225, %dma_wait3A_226] : memref<64x1024xf32, #tpu.memory_space<vmem>> -> memref<64x1024xf32, #tpu.memory_space<vmem>>
    %dma_wait3A_228 = arith.constant 0 : i32
    %dma_wait3A_229 = tpu.memref_slice %arg2[%add3A_224, %dma_wait3A_228] : memref<8192x1024xf32, #tpu.memory_space<hbm>> -> memref<64x1024xf32, #tpu.memory_space<hbm>>
    %dma_wait3A_230 = arith.constant 0 : i32
    %dma_wait3A_231 = arith.constant 0 : i32
    %dma_wait3A_232 = tpu.memref_slice %arg4[%dma_wait3A_230, %dma_wait3A_231] : memref<64x1024xf32, #tpu.memory_space<vmem>> -> memref<64x1024xf32, #tpu.memory_space<vmem>>
    %dma_wait3A_233 = arith.constant 0 : i32
    %dma_wait3A_234 = tpu.memref_slice %arg2[%add3A_224, %dma_wait3A_233] : memref<8192x1024xf32, #tpu.memory_space<hbm>> -> memref<64x1024xf32, #tpu.memory_space<hbm>>
    tpu.wait_dma2 semaphore(%arg6 : memref<!tpu.dma_semaphore, #tpu.memory_space<semaphore_mem>>) src(%dma_wait3A_234 : memref<64x1024xf32, #tpu.memory_space<hbm>>) dst(%dma_wait3A_232 : memref<64x1024xf32, #tpu.memory_space<vmem>>)
    %add3A_235 = arith.constant 120 : i32
    %add3A_236 = arith.addi %mul3A_2, %add3A_235 : i32
    %dma_start3A_237 = arith.constant 0 : i32
    %dma_start3A_238 = arith.constant 0 : i32
    %dma_start3A_239 = arith.constant 0 : i32
    %dma_start3A_240 = tpu.memref_slice %arg4[%dma_start3A_238, %dma_start3A_239] : memref<64x1024xf32, #tpu.memory_space<vmem>> -> memref<64x1024xf32, #tpu.memory_space<vmem>>
    %dma_start3A_241 = arith.constant 0 : i32
    %dma_start3A_242 = tpu.memref_slice %arg3[%dma_start3A_237, %add3A_236, %dma_start3A_241] : memref<4x8192x1024xf32, #tpu.memory_space<hbm>> -> memref<1x64x1024xf32, #tpu.memory_space<hbm>>
    %dma_start3A_243 = tpu.memref_squeeze %dma_start3A_242 : memref<1x64x1024xf32, #tpu.memory_space<hbm>> -> memref<64x1024xf32, #tpu.memory_space<hbm>>
    %dma_start3A_244 = arith.constant 0 : i32
    %dma_start3A_245 = tpu.memref_slice %arg3[%dma_start3A_237, %add3A_236, %dma_start3A_244] : memref<4x8192x1024xf32, #tpu.memory_space<hbm>> -> memref<1x64x1024xf32, #tpu.memory_space<hbm>>
    %dma_start3A_246 = tpu.memref_squeeze %dma_start3A_245 : memref<1x64x1024xf32, #tpu.memory_space<hbm>> -> memref<64x1024xf32, #tpu.memory_space<hbm>>
    %dma_start3A_247 = arith.constant 0 : i32
    %dma_start3A_248 = arith.constant 0 : i32
    %dma_start3A_249 = tpu.memref_slice %arg4[%dma_start3A_247, %dma_start3A_248] : memref<64x1024xf32, #tpu.memory_space<vmem>> -> memref<64x1024xf32, #tpu.memory_space<vmem>>
    tpu.enqueue_dma source(%dma_start3A_249 : memref<64x1024xf32, #tpu.memory_space<vmem>>) target(%dma_start3A_246 : memref<64x1024xf32, #tpu.memory_space<hbm>>) target_semaphore(%arg8 : memref<!tpu.dma_semaphore, #tpu.memory_space<semaphore_mem>>)
    %dma_start3A_250 = arith.constant 1 : i32
    %dma_start3A_251 = arith.constant 0 : i32
    %dma_start3A_252 = arith.constant 0 : i32
    %dma_start3A_253 = tpu.memref_slice %arg4[%dma_start3A_251, %dma_start3A_252] : memref<64x1024xf32, #tpu.memory_space<vmem>> -> memref<64x1024xf32, #tpu.memory_space<vmem>>
    %dma_start3A_254 = arith.constant 0 : i32
    %dma_start3A_255 = tpu.memref_slice %arg3[%dma_start3A_250, %add3A_236, %dma_start3A_254] : memref<4x8192x1024xf32, #tpu.memory_space<hbm>> -> memref<1x64x1024xf32, #tpu.memory_space<hbm>>
    %dma_start3A_256 = tpu.memref_squeeze %dma_start3A_255 : memref<1x64x1024xf32, #tpu.memory_space<hbm>> -> memref<64x1024xf32, #tpu.memory_space<hbm>>
    %dma_start3A_257 = arith.constant 0 : i32
    %dma_start3A_258 = tpu.memref_slice %arg3[%dma_start3A_250, %add3A_236, %dma_start3A_257] : memref<4x8192x1024xf32, #tpu.memory_space<hbm>> -> memref<1x64x1024xf32, #tpu.memory_space<hbm>>
    %dma_start3A_259 = tpu.memref_squeeze %dma_start3A_258 : memref<1x64x1024xf32, #tpu.memory_space<hbm>> -> memref<64x1024xf32, #tpu.memory_space<hbm>>
    %dma_start3A_260 = arith.constant 0 : i32
    %dma_start3A_261 = arith.constant 0 : i32
    %dma_start3A_262 = tpu.memref_slice %arg4[%dma_start3A_260, %dma_start3A_261] : memref<64x1024xf32, #tpu.memory_space<vmem>> -> memref<64x1024xf32, #tpu.memory_space<vmem>>
    tpu.enqueue_dma source(%dma_start3A_262 : memref<64x1024xf32, #tpu.memory_space<vmem>>) target(%dma_start3A_259 : memref<64x1024xf32, #tpu.memory_space<hbm>>) target_semaphore(%arg8 : memref<!tpu.dma_semaphore, #tpu.memory_space<semaphore_mem>>)
    %dma_start3A_263 = arith.constant 2 : i32
    %dma_start3A_264 = arith.constant 0 : i32
    %dma_start3A_265 = arith.constant 0 : i32
    %dma_start3A_266 = tpu.memref_slice %arg4[%dma_start3A_264, %dma_start3A_265] : memref<64x1024xf32, #tpu.memory_space<vmem>> -> memref<64x1024xf32, #tpu.memory_space<vmem>>
    %dma_start3A_267 = arith.constant 0 : i32
    %dma_start3A_268 = tpu.memref_slice %arg3[%dma_start3A_263, %add3A_236, %dma_start3A_267] : memref<4x8192x1024xf32, #tpu.memory_space<hbm>> -> memref<1x64x1024xf32, #tpu.memory_space<hbm>>
    %dma_start3A_269 = tpu.memref_squeeze %dma_start3A_268 : memref<1x64x1024xf32, #tpu.memory_space<hbm>> -> memref<64x1024xf32, #tpu.memory_space<hbm>>
    %dma_start3A_270 = arith.constant 0 : i32
    %dma_start3A_271 = tpu.memref_slice %arg3[%dma_start3A_263, %add3A_236, %dma_start3A_270] : memref<4x8192x1024xf32, #tpu.memory_space<hbm>> -> memref<1x64x1024xf32, #tpu.memory_space<hbm>>
    %dma_start3A_272 = tpu.memref_squeeze %dma_start3A_271 : memref<1x64x1024xf32, #tpu.memory_space<hbm>> -> memref<64x1024xf32, #tpu.memory_space<hbm>>
    %dma_start3A_273 = arith.constant 0 : i32
    %dma_start3A_274 = arith.constant 0 : i32
    %dma_start3A_275 = tpu.memref_slice %arg4[%dma_start3A_273, %dma_start3A_274] : memref<64x1024xf32, #tpu.memory_space<vmem>> -> memref<64x1024xf32, #tpu.memory_space<vmem>>
    tpu.enqueue_dma source(%dma_start3A_275 : memref<64x1024xf32, #tpu.memory_space<vmem>>) target(%dma_start3A_272 : memref<64x1024xf32, #tpu.memory_space<hbm>>) target_semaphore(%arg8 : memref<!tpu.dma_semaphore, #tpu.memory_space<semaphore_mem>>)
    %dma_start3A_276 = arith.constant 3 : i32
    %dma_start3A_277 = arith.constant 0 : i32
    %dma_start3A_278 = arith.constant 0 : i32
    %dma_start3A_279 = tpu.memref_slice %arg4[%dma_start3A_277, %dma_start3A_278] : memref<64x1024xf32, #tpu.memory_space<vmem>> -> memref<64x1024xf32, #tpu.memory_space<vmem>>
    %dma_start3A_280 = arith.constant 0 : i32
    %dma_start3A_281 = tpu.memref_slice %arg3[%dma_start3A_276, %add3A_236, %dma_start3A_280] : memref<4x8192x1024xf32, #tpu.memory_space<hbm>> -> memref<1x64x1024xf32, #tpu.memory_space<hbm>>
    %dma_start3A_282 = tpu.memref_squeeze %dma_start3A_281 : memref<1x64x1024xf32, #tpu.memory_space<hbm>> -> memref<64x1024xf32, #tpu.memory_space<hbm>>
    %dma_start3A_283 = arith.constant 0 : i32
    %dma_start3A_284 = tpu.memref_slice %arg3[%dma_start3A_276, %add3A_236, %dma_start3A_283] : memref<4x8192x1024xf32, #tpu.memory_space<hbm>> -> memref<1x64x1024xf32, #tpu.memory_space<hbm>>
    %dma_start3A_285 = tpu.memref_squeeze %dma_start3A_284 : memref<1x64x1024xf32, #tpu.memory_space<hbm>> -> memref<64x1024xf32, #tpu.memory_space<hbm>>
    %dma_start3A_286 = arith.constant 0 : i32
    %dma_start3A_287 = arith.constant 0 : i32
    %dma_start3A_288 = tpu.memref_slice %arg4[%dma_start3A_286, %dma_start3A_287] : memref<64x1024xf32, #tpu.memory_space<vmem>> -> memref<64x1024xf32, #tpu.memory_space<vmem>>
    tpu.enqueue_dma source(%dma_start3A_288 : memref<64x1024xf32, #tpu.memory_space<vmem>>) target(%dma_start3A_285 : memref<64x1024xf32, #tpu.memory_space<hbm>>) target_semaphore(%arg8 : memref<!tpu.dma_semaphore, #tpu.memory_space<semaphore_mem>>)
    %add3A_289 = arith.constant 64 : i32
    %add3A_290 = arith.addi %mul3A_2, %add3A_289 : i32
    %dma_wait3A_291 = arith.constant 0 : i32
    %dma_wait3A_292 = arith.constant 0 : i32
    %dma_wait3A_293 = arith.constant 0 : i32
    %dma_wait3A_294 = tpu.memref_slice %arg5[%dma_wait3A_292, %dma_wait3A_293] : memref<56x1024xf32, #tpu.memory_space<vmem>> -> memref<56x1024xf32, #tpu.memory_space<vmem>>
    %dma_wait3A_295 = arith.constant 0 : i32
    %dma_wait3A_296 = tpu.memref_slice %arg3[%dma_wait3A_291, %add3A_290, %dma_wait3A_295] : memref<4x8192x1024xf32, #tpu.memory_space<hbm>> -> memref<1x56x1024xf32, #tpu.memory_space<hbm>>
    %dma_wait3A_297 = tpu.memref_squeeze %dma_wait3A_296 : memref<1x56x1024xf32, #tpu.memory_space<hbm>> -> memref<56x1024xf32, #tpu.memory_space<hbm>>
    %dma_wait3A_298 = arith.constant 0 : i32
    %dma_wait3A_299 = tpu.memref_slice %arg3[%dma_wait3A_291, %add3A_290, %dma_wait3A_298] : memref<4x8192x1024xf32, #tpu.memory_space<hbm>> -> memref<1x56x1024xf32, #tpu.memory_space<hbm>>
    %dma_wait3A_300 = tpu.memref_squeeze %dma_wait3A_299 : memref<1x56x1024xf32, #tpu.memory_space<hbm>> -> memref<56x1024xf32, #tpu.memory_space<hbm>>
    %dma_wait3A_301 = arith.constant 0 : i32
    %dma_wait3A_302 = arith.constant 0 : i32
    %dma_wait3A_303 = tpu.memref_slice %arg5[%dma_wait3A_301, %dma_wait3A_302] : memref<56x1024xf32, #tpu.memory_space<vmem>> -> memref<56x1024xf32, #tpu.memory_space<vmem>>
    tpu.wait_dma2 semaphore(%arg9 : memref<!tpu.dma_semaphore, #tpu.memory_space<semaphore_mem>>) src(%dma_wait3A_303 : memref<56x1024xf32, #tpu.memory_space<vmem>>) dst(%dma_wait3A_300 : memref<56x1024xf32, #tpu.memory_space<hbm>>)
    %dma_wait3A_304 = arith.constant 1 : i32
    %dma_wait3A_305 = arith.constant 0 : i32
    %dma_wait3A_306 = arith.constant 0 : i32
    %dma_wait3A_307 = tpu.memref_slice %arg5[%dma_wait3A_305, %dma_wait3A_306] : memref<56x1024xf32, #tpu.memory_space<vmem>> -> memref<56x1024xf32, #tpu.memory_space<vmem>>
    %dma_wait3A_308 = arith.constant 0 : i32
    %dma_wait3A_309 = tpu.memref_slice %arg3[%dma_wait3A_304, %add3A_290, %dma_wait3A_308] : memref<4x8192x1024xf32, #tpu.memory_space<hbm>> -> memref<1x56x1024xf32, #tpu.memory_space<hbm>>
    %dma_wait3A_310 = tpu.memref_squeeze %dma_wait3A_309 : memref<1x56x1024xf32, #tpu.memory_space<hbm>> -> memref<56x1024xf32, #tpu.memory_space<hbm>>
    %dma_wait3A_311 = arith.constant 0 : i32
    %dma_wait3A_312 = tpu.memref_slice %arg3[%dma_wait3A_304, %add3A_290, %dma_wait3A_311] : memref<4x8192x1024xf32, #tpu.memory_space<hbm>> -> memref<1x56x1024xf32, #tpu.memory_space<hbm>>
    %dma_wait3A_313 = tpu.memref_squeeze %dma_wait3A_312 : memref<1x56x1024xf32, #tpu.memory_space<hbm>> -> memref<56x1024xf32, #tpu.memory_space<hbm>>
    %dma_wait3A_314 = arith.constant 0 : i32
    %dma_wait3A_315 = arith.constant 0 : i32
    %dma_wait3A_316 = tpu.memref_slice %arg5[%dma_wait3A_314, %dma_wait3A_315] : memref<56x1024xf32, #tpu.memory_space<vmem>> -> memref<56x1024xf32, #tpu.memory_space<vmem>>
    tpu.wait_dma2 semaphore(%arg9 : memref<!tpu.dma_semaphore, #tpu.memory_space<semaphore_mem>>) src(%dma_wait3A_316 : memref<56x1024xf32, #tpu.memory_space<vmem>>) dst(%dma_wait3A_313 : memref<56x1024xf32, #tpu.memory_space<hbm>>)
    %dma_wait3A_317 = arith.constant 2 : i32
    %dma_wait3A_318 = arith.constant 0 : i32
    %dma_wait3A_319 = arith.constant 0 : i32
    %dma_wait3A_320 = tpu.memref_slice %arg5[%dma_wait3A_318, %dma_wait3A_319] : memref<56x1024xf32, #tpu.memory_space<vmem>> -> memref<56x1024xf32, #tpu.memory_space<vmem>>
    %dma_wait3A_321 = arith.constant 0 : i32
    %dma_wait3A_322 = tpu.memref_slice %arg3[%dma_wait3A_317, %add3A_290, %dma_wait3A_321] : memref<4x8192x1024xf32, #tpu.memory_space<hbm>> -> memref<1x56x1024xf32, #tpu.memory_space<hbm>>
    %dma_wait3A_323 = tpu.memref_squeeze %dma_wait3A_322 : memref<1x56x1024xf32, #tpu.memory_space<hbm>> -> memref<56x1024xf32, #tpu.memory_space<hbm>>
    %dma_wait3A_324 = arith.constant 0 : i32
    %dma_wait3A_325 = tpu.memref_slice %arg3[%dma_wait3A_317, %add3A_290, %dma_wait3A_324] : memref<4x8192x1024xf32, #tpu.memory_space<hbm>> -> memref<1x56x1024xf32, #tpu.memory_space<hbm>>
    %dma_wait3A_326 = tpu.memref_squeeze %dma_wait3A_325 : memref<1x56x1024xf32, #tpu.memory_space<hbm>> -> memref<56x1024xf32, #tpu.memory_space<hbm>>
    %dma_wait3A_327 = arith.constant 0 : i32
    %dma_wait3A_328 = arith.constant 0 : i32
    %dma_wait3A_329 = tpu.memref_slice %arg5[%dma_wait3A_327, %dma_wait3A_328] : memref<56x1024xf32, #tpu.memory_space<vmem>> -> memref<56x1024xf32, #tpu.memory_space<vmem>>
    tpu.wait_dma2 semaphore(%arg9 : memref<!tpu.dma_semaphore, #tpu.memory_space<semaphore_mem>>) src(%dma_wait3A_329 : memref<56x1024xf32, #tpu.memory_space<vmem>>) dst(%dma_wait3A_326 : memref<56x1024xf32, #tpu.memory_space<hbm>>)
    %dma_wait3A_330 = arith.constant 3 : i32
    %dma_wait3A_331 = arith.constant 0 : i32
    %dma_wait3A_332 = arith.constant 0 : i32
    %dma_wait3A_333 = tpu.memref_slice %arg5[%dma_wait3A_331, %dma_wait3A_332] : memref<56x1024xf32, #tpu.memory_space<vmem>> -> memref<56x1024xf32, #tpu.memory_space<vmem>>
    %dma_wait3A_334 = arith.constant 0 : i32
    %dma_wait3A_335 = tpu.memref_slice %arg3[%dma_wait3A_330, %add3A_290, %dma_wait3A_334] : memref<4x8192x1024xf32, #tpu.memory_space<hbm>> -> memref<1x56x1024xf32, #tpu.memory_space<hbm>>
    %dma_wait3A_336 = tpu.memref_squeeze %dma_wait3A_335 : memref<1x56x1024xf32, #tpu.memory_space<hbm>> -> memref<56x1024xf32, #tpu.memory_space<hbm>>
    %dma_wait3A_337 = arith.constant 0 : i32
    %dma_wait3A_338 = tpu.memref_slice %arg3[%dma_wait3A_330, %add3A_290, %dma_wait3A_337] : memref<4x8192x1024xf32, #tpu.memory_space<hbm>> -> memref<1x56x1024xf32, #tpu.memory_space<hbm>>
    %dma_wait3A_339 = tpu.memref_squeeze %dma_wait3A_338 : memref<1x56x1024xf32, #tpu.memory_space<hbm>> -> memref<56x1024xf32, #tpu.memory_space<hbm>>
    %dma_wait3A_340 = arith.constant 0 : i32
    %dma_wait3A_341 = arith.constant 0 : i32
    %dma_wait3A_342 = tpu.memref_slice %arg5[%dma_wait3A_340, %dma_wait3A_341] : memref<56x1024xf32, #tpu.memory_space<vmem>> -> memref<56x1024xf32, #tpu.memory_space<vmem>>
    tpu.wait_dma2 semaphore(%arg9 : memref<!tpu.dma_semaphore, #tpu.memory_space<semaphore_mem>>) src(%dma_wait3A_342 : memref<56x1024xf32, #tpu.memory_space<vmem>>) dst(%dma_wait3A_339 : memref<56x1024xf32, #tpu.memory_space<hbm>>)
    %add3A_343 = arith.constant 184 : i32
    %add3A_344 = arith.addi %mul3A_2, %add3A_343 : i32
    %dma_start3A_345 = arith.constant 0 : i32
    %dma_start3A_346 = arith.constant 0 : i32
    %dma_start3A_347 = tpu.memref_slice %arg5[%dma_start3A_345, %dma_start3A_346] : memref<56x1024xf32, #tpu.memory_space<vmem>> -> memref<56x1024xf32, #tpu.memory_space<vmem>>
    %dma_start3A_348 = arith.constant 0 : i32
    %dma_start3A_349 = tpu.memref_slice %arg2[%add3A_344, %dma_start3A_348] : memref<8192x1024xf32, #tpu.memory_space<hbm>> -> memref<56x1024xf32, #tpu.memory_space<hbm>>
    %dma_start3A_350 = arith.constant 0 : i32
    %dma_start3A_351 = arith.constant 0 : i32
    %dma_start3A_352 = tpu.memref_slice %arg5[%dma_start3A_350, %dma_start3A_351] : memref<56x1024xf32, #tpu.memory_space<vmem>> -> memref<56x1024xf32, #tpu.memory_space<vmem>>
    %dma_start3A_353 = arith.constant 0 : i32
    %dma_start3A_354 = tpu.memref_slice %arg2[%add3A_344, %dma_start3A_353] : memref<8192x1024xf32, #tpu.memory_space<hbm>> -> memref<56x1024xf32, #tpu.memory_space<hbm>>
    tpu.enqueue_dma source(%dma_start3A_354 : memref<56x1024xf32, #tpu.memory_space<hbm>>) target(%dma_start3A_352 : memref<56x1024xf32, #tpu.memory_space<vmem>>) target_semaphore(%arg7 : memref<!tpu.dma_semaphore, #tpu.memory_space<semaphore_mem>>)
    %add3A_355 = arith.constant 184 : i32
    %add3A_356 = arith.addi %mul3A_2, %add3A_355 : i32
    %dma_wait3A_357 = arith.constant 0 : i32
    %dma_wait3A_358 = arith.constant 0 : i32
    %dma_wait3A_359 = tpu.memref_slice %arg5[%dma_wait3A_357, %dma_wait3A_358] : memref<56x1024xf32, #tpu.memory_space<vmem>> -> memref<56x1024xf32, #tpu.memory_space<vmem>>
    %dma_wait3A_360 = arith.constant 0 : i32
    %dma_wait3A_361 = tpu.memref_slice %arg2[%add3A_356, %dma_wait3A_360] : memref<8192x1024xf32, #tpu.memory_space<hbm>> -> memref<56x1024xf32, #tpu.memory_space<hbm>>
    %dma_wait3A_362 = arith.constant 0 : i32
    %dma_wait3A_363 = arith.constant 0 : i32
    %dma_wait3A_364 = tpu.memref_slice %arg5[%dma_wait3A_362, %dma_wait3A_363] : memref<56x1024xf32, #tpu.memory_space<vmem>> -> memref<56x1024xf32, #tpu.memory_space<vmem>>
    %dma_wait3A_365 = arith.constant 0 : i32
    %dma_wait3A_366 = tpu.memref_slice %arg2[%add3A_356, %dma_wait3A_365] : memref<8192x1024xf32, #tpu.memory_space<hbm>> -> memref<56x1024xf32, #tpu.memory_space<hbm>>
    tpu.wait_dma2 semaphore(%arg7 : memref<!tpu.dma_semaphore, #tpu.memory_space<semaphore_mem>>) src(%dma_wait3A_366 : memref<56x1024xf32, #tpu.memory_space<hbm>>) dst(%dma_wait3A_364 : memref<56x1024xf32, #tpu.memory_space<vmem>>)
    %add3A_367 = arith.constant 184 : i32
    %add3A_368 = arith.addi %mul3A_2, %add3A_367 : i32
    %dma_start3A_369 = arith.constant 0 : i32
    %dma_start3A_370 = arith.constant 0 : i32
    %dma_start3A_371 = arith.constant 0 : i32
    %dma_start3A_372 = tpu.memref_slice %arg5[%dma_start3A_370, %dma_start3A_371] : memref<56x1024xf32, #tpu.memory_space<vmem>> -> memref<56x1024xf32, #tpu.memory_space<vmem>>
    %dma_start3A_373 = arith.constant 0 : i32
    %dma_start3A_374 = tpu.memref_slice %arg3[%dma_start3A_369, %add3A_368, %dma_start3A_373] : memref<4x8192x1024xf32, #tpu.memory_space<hbm>> -> memref<1x56x1024xf32, #tpu.memory_space<hbm>>
    %dma_start3A_375 = tpu.memref_squeeze %dma_start3A_374 : memref<1x56x1024xf32, #tpu.memory_space<hbm>> -> memref<56x1024xf32, #tpu.memory_space<hbm>>
    %dma_start3A_376 = arith.constant 0 : i32
    %dma_start3A_377 = tpu.memref_slice %arg3[%dma_start3A_369, %add3A_368, %dma_start3A_376] : memref<4x8192x1024xf32, #tpu.memory_space<hbm>> -> memref<1x56x1024xf32, #tpu.memory_space<hbm>>
    %dma_start3A_378 = tpu.memref_squeeze %dma_start3A_377 : memref<1x56x1024xf32, #tpu.memory_space<hbm>> -> memref<56x1024xf32, #tpu.memory_space<hbm>>
    %dma_start3A_379 = arith.constant 0 : i32
    %dma_start3A_380 = arith.constant 0 : i32
    %dma_start3A_381 = tpu.memref_slice %arg5[%dma_start3A_379, %dma_start3A_380] : memref<56x1024xf32, #tpu.memory_space<vmem>> -> memref<56x1024xf32, #tpu.memory_space<vmem>>
    tpu.enqueue_dma source(%dma_start3A_381 : memref<56x1024xf32, #tpu.memory_space<vmem>>) target(%dma_start3A_378 : memref<56x1024xf32, #tpu.memory_space<hbm>>) target_semaphore(%arg9 : memref<!tpu.dma_semaphore, #tpu.memory_space<semaphore_mem>>)
    %dma_start3A_382 = arith.constant 1 : i32
    %dma_start3A_383 = arith.constant 0 : i32
    %dma_start3A_384 = arith.constant 0 : i32
    %dma_start3A_385 = tpu.memref_slice %arg5[%dma_start3A_383, %dma_start3A_384] : memref<56x1024xf32, #tpu.memory_space<vmem>> -> memref<56x1024xf32, #tpu.memory_space<vmem>>
    %dma_start3A_386 = arith.constant 0 : i32
    %dma_start3A_387 = tpu.memref_slice %arg3[%dma_start3A_382, %add3A_368, %dma_start3A_386] : memref<4x8192x1024xf32, #tpu.memory_space<hbm>> -> memref<1x56x1024xf32, #tpu.memory_space<hbm>>
    %dma_start3A_388 = tpu.memref_squeeze %dma_start3A_387 : memref<1x56x1024xf32, #tpu.memory_space<hbm>> -> memref<56x1024xf32, #tpu.memory_space<hbm>>
    %dma_start3A_389 = arith.constant 0 : i32
    %dma_start3A_390 = tpu.memref_slice %arg3[%dma_start3A_382, %add3A_368, %dma_start3A_389] : memref<4x8192x1024xf32, #tpu.memory_space<hbm>> -> memref<1x56x1024xf32, #tpu.memory_space<hbm>>
    %dma_start3A_391 = tpu.memref_squeeze %dma_start3A_390 : memref<1x56x1024xf32, #tpu.memory_space<hbm>> -> memref<56x1024xf32, #tpu.memory_space<hbm>>
    %dma_start3A_392 = arith.constant 0 : i32
    %dma_start3A_393 = arith.constant 0 : i32
    %dma_start3A_394 = tpu.memref_slice %arg5[%dma_start3A_392, %dma_start3A_393] : memref<56x1024xf32, #tpu.memory_space<vmem>> -> memref<56x1024xf32, #tpu.memory_space<vmem>>
    tpu.enqueue_dma source(%dma_start3A_394 : memref<56x1024xf32, #tpu.memory_space<vmem>>) target(%dma_start3A_391 : memref<56x1024xf32, #tpu.memory_space<hbm>>) target_semaphore(%arg9 : memref<!tpu.dma_semaphore, #tpu.memory_space<semaphore_mem>>)
    %dma_start3A_395 = arith.constant 2 : i32
    %dma_start3A_396 = arith.constant 0 : i32
    %dma_start3A_397 = arith.constant 0 : i32
    %dma_start3A_398 = tpu.memref_slice %arg5[%dma_start3A_396, %dma_start3A_397] : memref<56x1024xf32, #tpu.memory_space<vmem>> -> memref<56x1024xf32, #tpu.memory_space<vmem>>
    %dma_start3A_399 = arith.constant 0 : i32
    %dma_start3A_400 = tpu.memref_slice %arg3[%dma_start3A_395, %add3A_368, %dma_start3A_399] : memref<4x8192x1024xf32, #tpu.memory_space<hbm>> -> memref<1x56x1024xf32, #tpu.memory_space<hbm>>
    %dma_start3A_401 = tpu.memref_squeeze %dma_start3A_400 : memref<1x56x1024xf32, #tpu.memory_space<hbm>> -> memref<56x1024xf32, #tpu.memory_space<hbm>>
    %dma_start3A_402 = arith.constant 0 : i32
    %dma_start3A_403 = tpu.memref_slice %arg3[%dma_start3A_395, %add3A_368, %dma_start3A_402] : memref<4x8192x1024xf32, #tpu.memory_space<hbm>> -> memref<1x56x1024xf32, #tpu.memory_space<hbm>>
    %dma_start3A_404 = tpu.memref_squeeze %dma_start3A_403 : memref<1x56x1024xf32, #tpu.memory_space<hbm>> -> memref<56x1024xf32, #tpu.memory_space<hbm>>
    %dma_start3A_405 = arith.constant 0 : i32
    %dma_start3A_406 = arith.constant 0 : i32
    %dma_start3A_407 = tpu.memref_slice %arg5[%dma_start3A_405, %dma_start3A_406] : memref<56x1024xf32, #tpu.memory_space<vmem>> -> memref<56x1024xf32, #tpu.memory_space<vmem>>
    tpu.enqueue_dma source(%dma_start3A_407 : memref<56x1024xf32, #tpu.memory_space<vmem>>) target(%dma_start3A_404 : memref<56x1024xf32, #tpu.memory_space<hbm>>) target_semaphore(%arg9 : memref<!tpu.dma_semaphore, #tpu.memory_space<semaphore_mem>>)
    %dma_start3A_408 = arith.constant 3 : i32
    %dma_start3A_409 = arith.constant 0 : i32
    %dma_start3A_410 = arith.constant 0 : i32
    %dma_start3A_411 = tpu.memref_slice %arg5[%dma_start3A_409, %dma_start3A_410] : memref<56x1024xf32, #tpu.memory_space<vmem>> -> memref<56x1024xf32, #tpu.memory_space<vmem>>
    %dma_start3A_412 = arith.constant 0 : i32
    %dma_start3A_413 = tpu.memref_slice %arg3[%dma_start3A_408, %add3A_368, %dma_start3A_412] : memref<4x8192x1024xf32, #tpu.memory_space<hbm>> -> memref<1x56x1024xf32, #tpu.memory_space<hbm>>
    %dma_start3A_414 = tpu.memref_squeeze %dma_start3A_413 : memref<1x56x1024xf32, #tpu.memory_space<hbm>> -> memref<56x1024xf32, #tpu.memory_space<hbm>>
    %dma_start3A_415 = arith.constant 0 : i32
    %dma_start3A_416 = tpu.memref_slice %arg3[%dma_start3A_408, %add3A_368, %dma_start3A_415] : memref<4x8192x1024xf32, #tpu.memory_space<hbm>> -> memref<1x56x1024xf32, #tpu.memory_space<hbm>>
    %dma_start3A_417 = tpu.memref_squeeze %dma_start3A_416 : memref<1x56x1024xf32, #tpu.memory_space<hbm>> -> memref<56x1024xf32, #tpu.memory_space<hbm>>
    %dma_start3A_418 = arith.constant 0 : i32
    %dma_start3A_419 = arith.constant 0 : i32
    %dma_start3A_420 = tpu.memref_slice %arg5[%dma_start3A_418, %dma_start3A_419] : memref<56x1024xf32, #tpu.memory_space<vmem>> -> memref<56x1024xf32, #tpu.memory_space<vmem>>
    tpu.enqueue_dma source(%dma_start3A_420 : memref<56x1024xf32, #tpu.memory_space<vmem>>) target(%dma_start3A_417 : memref<56x1024xf32, #tpu.memory_space<hbm>>) target_semaphore(%arg9 : memref<!tpu.dma_semaphore, #tpu.memory_space<semaphore_mem>>)
    %add3A_421 = arith.constant 120 : i32
    %add3A_422 = arith.addi %mul3A_2, %add3A_421 : i32
    %dma_wait3A_423 = arith.constant 0 : i32
    %dma_wait3A_424 = arith.constant 0 : i32
    %dma_wait3A_425 = arith.constant 0 : i32
    %dma_wait3A_426 = tpu.memref_slice %arg4[%dma_wait3A_424, %dma_wait3A_425] : memref<64x1024xf32, #tpu.memory_space<vmem>> -> memref<64x1024xf32, #tpu.memory_space<vmem>>
    %dma_wait3A_427 = arith.constant 0 : i32
    %dma_wait3A_428 = tpu.memref_slice %arg3[%dma_wait3A_423, %add3A_422, %dma_wait3A_427] : memref<4x8192x1024xf32, #tpu.memory_space<hbm>> -> memref<1x64x1024xf32, #tpu.memory_space<hbm>>
    %dma_wait3A_429 = tpu.memref_squeeze %dma_wait3A_428 : memref<1x64x1024xf32, #tpu.memory_space<hbm>> -> memref<64x1024xf32, #tpu.memory_space<hbm>>
    %dma_wait3A_430 = arith.constant 0 : i32
    %dma_wait3A_431 = tpu.memref_slice %arg3[%dma_wait3A_423, %add3A_422, %dma_wait3A_430] : memref<4x8192x1024xf32, #tpu.memory_space<hbm>> -> memref<1x64x1024xf32, #tpu.memory_space<hbm>>
    %dma_wait3A_432 = tpu.memref_squeeze %dma_wait3A_431 : memref<1x64x1024xf32, #tpu.memory_space<hbm>> -> memref<64x1024xf32, #tpu.memory_space<hbm>>
    %dma_wait3A_433 = arith.constant 0 : i32
    %dma_wait3A_434 = arith.constant 0 : i32
    %dma_wait3A_435 = tpu.memref_slice %arg4[%dma_wait3A_433, %dma_wait3A_434] : memref<64x1024xf32, #tpu.memory_space<vmem>> -> memref<64x1024xf32, #tpu.memory_space<vmem>>
    tpu.wait_dma2 semaphore(%arg8 : memref<!tpu.dma_semaphore, #tpu.memory_space<semaphore_mem>>) src(%dma_wait3A_435 : memref<64x1024xf32, #tpu.memory_space<vmem>>) dst(%dma_wait3A_432 : memref<64x1024xf32, #tpu.memory_space<hbm>>)
    %dma_wait3A_436 = arith.constant 1 : i32
    %dma_wait3A_437 = arith.constant 0 : i32
    %dma_wait3A_438 = arith.constant 0 : i32
    %dma_wait3A_439 = tpu.memref_slice %arg4[%dma_wait3A_437, %dma_wait3A_438] : memref<64x1024xf32, #tpu.memory_space<vmem>> -> memref<64x1024xf32, #tpu.memory_space<vmem>>
    %dma_wait3A_440 = arith.constant 0 : i32
    %dma_wait3A_441 = tpu.memref_slice %arg3[%dma_wait3A_436, %add3A_422, %dma_wait3A_440] : memref<4x8192x1024xf32, #tpu.memory_space<hbm>> -> memref<1x64x1024xf32, #tpu.memory_space<hbm>>
    %dma_wait3A_442 = tpu.memref_squeeze %dma_wait3A_441 : memref<1x64x1024xf32, #tpu.memory_space<hbm>> -> memref<64x1024xf32, #tpu.memory_space<hbm>>
    %dma_wait3A_443 = arith.constant 0 : i32
    %dma_wait3A_444 = tpu.memref_slice %arg3[%dma_wait3A_436, %add3A_422, %dma_wait3A_443] : memref<4x8192x1024xf32, #tpu.memory_space<hbm>> -> memref<1x64x1024xf32, #tpu.memory_space<hbm>>
    %dma_wait3A_445 = tpu.memref_squeeze %dma_wait3A_444 : memref<1x64x1024xf32, #tpu.memory_space<hbm>> -> memref<64x1024xf32, #tpu.memory_space<hbm>>
    %dma_wait3A_446 = arith.constant 0 : i32
    %dma_wait3A_447 = arith.constant 0 : i32
    %dma_wait3A_448 = tpu.memref_slice %arg4[%dma_wait3A_446, %dma_wait3A_447] : memref<64x1024xf32, #tpu.memory_space<vmem>> -> memref<64x1024xf32, #tpu.memory_space<vmem>>
    tpu.wait_dma2 semaphore(%arg8 : memref<!tpu.dma_semaphore, #tpu.memory_space<semaphore_mem>>) src(%dma_wait3A_448 : memref<64x1024xf32, #tpu.memory_space<vmem>>) dst(%dma_wait3A_445 : memref<64x1024xf32, #tpu.memory_space<hbm>>)
    %dma_wait3A_449 = arith.constant 2 : i32
    %dma_wait3A_450 = arith.constant 0 : i32
    %dma_wait3A_451 = arith.constant 0 : i32
    %dma_wait3A_452 = tpu.memref_slice %arg4[%dma_wait3A_450, %dma_wait3A_451] : memref<64x1024xf32, #tpu.memory_space<vmem>> -> memref<64x1024xf32, #tpu.memory_space<vmem>>
    %dma_wait3A_453 = arith.constant 0 : i32
    %dma_wait3A_454 = tpu.memref_slice %arg3[%dma_wait3A_449, %add3A_422, %dma_wait3A_453] : memref<4x8192x1024xf32, #tpu.memory_space<hbm>> -> memref<1x64x1024xf32, #tpu.memory_space<hbm>>
    %dma_wait3A_455 = tpu.memref_squeeze %dma_wait3A_454 : memref<1x64x1024xf32, #tpu.memory_space<hbm>> -> memref<64x1024xf32, #tpu.memory_space<hbm>>
    %dma_wait3A_456 = arith.constant 0 : i32
    %dma_wait3A_457 = tpu.memref_slice %arg3[%dma_wait3A_449, %add3A_422, %dma_wait3A_456] : memref<4x8192x1024xf32, #tpu.memory_space<hbm>> -> memref<1x64x1024xf32, #tpu.memory_space<hbm>>
    %dma_wait3A_458 = tpu.memref_squeeze %dma_wait3A_457 : memref<1x64x1024xf32, #tpu.memory_space<hbm>> -> memref<64x1024xf32, #tpu.memory_space<hbm>>
    %dma_wait3A_459 = arith.constant 0 : i32
    %dma_wait3A_460 = arith.constant 0 : i32
    %dma_wait3A_461 = tpu.memref_slice %arg4[%dma_wait3A_459, %dma_wait3A_460] : memref<64x1024xf32, #tpu.memory_space<vmem>> -> memref<64x1024xf32, #tpu.memory_space<vmem>>
    tpu.wait_dma2 semaphore(%arg8 : memref<!tpu.dma_semaphore, #tpu.memory_space<semaphore_mem>>) src(%dma_wait3A_461 : memref<64x1024xf32, #tpu.memory_space<vmem>>) dst(%dma_wait3A_458 : memref<64x1024xf32, #tpu.memory_space<hbm>>)
    %dma_wait3A_462 = arith.constant 3 : i32
    %dma_wait3A_463 = arith.constant 0 : i32
    %dma_wait3A_464 = arith.constant 0 : i32
    %dma_wait3A_465 = tpu.memref_slice %arg4[%dma_wait3A_463, %dma_wait3A_464] : memref<64x1024xf32, #tpu.memory_space<vmem>> -> memref<64x1024xf32, #tpu.memory_space<vmem>>
    %dma_wait3A_466 = arith.constant 0 : i32
    %dma_wait3A_467 = tpu.memref_slice %arg3[%dma_wait3A_462, %add3A_422, %dma_wait3A_466] : memref<4x8192x1024xf32, #tpu.memory_space<hbm>> -> memref<1x64x1024xf32, #tpu.memory_space<hbm>>
    %dma_wait3A_468 = tpu.memref_squeeze %dma_wait3A_467 : memref<1x64x1024xf32, #tpu.memory_space<hbm>> -> memref<64x1024xf32, #tpu.memory_space<hbm>>
    %dma_wait3A_469 = arith.constant 0 : i32
    %dma_wait3A_470 = tpu.memref_slice %arg3[%dma_wait3A_462, %add3A_422, %dma_wait3A_469] : memref<4x8192x1024xf32, #tpu.memory_space<hbm>> -> memref<1x64x1024xf32, #tpu.memory_space<hbm>>
    %dma_wait3A_471 = tpu.memref_squeeze %dma_wait3A_470 : memref<1x64x1024xf32, #tpu.memory_space<hbm>> -> memref<64x1024xf32, #tpu.memory_space<hbm>>
    %dma_wait3A_472 = arith.constant 0 : i32
    %dma_wait3A_473 = arith.constant 0 : i32
    %dma_wait3A_474 = tpu.memref_slice %arg4[%dma_wait3A_472, %dma_wait3A_473] : memref<64x1024xf32, #tpu.memory_space<vmem>> -> memref<64x1024xf32, #tpu.memory_space<vmem>>
    tpu.wait_dma2 semaphore(%arg8 : memref<!tpu.dma_semaphore, #tpu.memory_space<semaphore_mem>>) src(%dma_wait3A_474 : memref<64x1024xf32, #tpu.memory_space<vmem>>) dst(%dma_wait3A_471 : memref<64x1024xf32, #tpu.memory_space<hbm>>)
    %add3A_475 = arith.constant 240 : i32
    %add3A_476 = arith.addi %mul3A_2, %add3A_475 : i32
    %dma_start3A_477 = arith.constant 0 : i32
    %dma_start3A_478 = arith.constant 0 : i32
    %dma_start3A_479 = tpu.memref_slice %arg4[%dma_start3A_477, %dma_start3A_478] : memref<64x1024xf32, #tpu.memory_space<vmem>> -> memref<16x1024xf32, #tpu.memory_space<vmem>>
    %dma_start3A_480 = arith.constant 0 : i32
    %dma_start3A_481 = tpu.memref_slice %arg2[%add3A_476, %dma_start3A_480] : memref<8192x1024xf32, #tpu.memory_space<hbm>> -> memref<16x1024xf32, #tpu.memory_space<hbm>>
    %dma_start3A_482 = arith.constant 0 : i32
    %dma_start3A_483 = arith.constant 0 : i32
    %dma_start3A_484 = tpu.memref_slice %arg4[%dma_start3A_482, %dma_start3A_483] : memref<64x1024xf32, #tpu.memory_space<vmem>> -> memref<16x1024xf32, #tpu.memory_space<vmem>>
    %dma_start3A_485 = arith.constant 0 : i32
    %dma_start3A_486 = tpu.memref_slice %arg2[%add3A_476, %dma_start3A_485] : memref<8192x1024xf32, #tpu.memory_space<hbm>> -> memref<16x1024xf32, #tpu.memory_space<hbm>>
    tpu.enqueue_dma source(%dma_start3A_486 : memref<16x1024xf32, #tpu.memory_space<hbm>>) target(%dma_start3A_484 : memref<16x1024xf32, #tpu.memory_space<vmem>>) target_semaphore(%arg6 : memref<!tpu.dma_semaphore, #tpu.memory_space<semaphore_mem>>)
    %add3A_487 = arith.constant 240 : i32
    %add3A_488 = arith.addi %mul3A_2, %add3A_487 : i32
    %dma_wait3A_489 = arith.constant 0 : i32
    %dma_wait3A_490 = arith.constant 0 : i32
    %dma_wait3A_491 = tpu.memref_slice %arg4[%dma_wait3A_489, %dma_wait3A_490] : memref<64x1024xf32, #tpu.memory_space<vmem>> -> memref<16x1024xf32, #tpu.memory_space<vmem>>
    %dma_wait3A_492 = arith.constant 0 : i32
    %dma_wait3A_493 = tpu.memref_slice %arg2[%add3A_488, %dma_wait3A_492] : memref<8192x1024xf32, #tpu.memory_space<hbm>> -> memref<16x1024xf32, #tpu.memory_space<hbm>>
    %dma_wait3A_494 = arith.constant 0 : i32
    %dma_wait3A_495 = arith.constant 0 : i32
    %dma_wait3A_496 = tpu.memref_slice %arg4[%dma_wait3A_494, %dma_wait3A_495] : memref<64x1024xf32, #tpu.memory_space<vmem>> -> memref<16x1024xf32, #tpu.memory_space<vmem>>
    %dma_wait3A_497 = arith.constant 0 : i32
    %dma_wait3A_498 = tpu.memref_slice %arg2[%add3A_488, %dma_wait3A_497] : memref<8192x1024xf32, #tpu.memory_space<hbm>> -> memref<16x1024xf32, #tpu.memory_space<hbm>>
    tpu.wait_dma2 semaphore(%arg6 : memref<!tpu.dma_semaphore, #tpu.memory_space<semaphore_mem>>) src(%dma_wait3A_498 : memref<16x1024xf32, #tpu.memory_space<hbm>>) dst(%dma_wait3A_496 : memref<16x1024xf32, #tpu.memory_space<vmem>>)
    %add3A_499 = arith.constant 240 : i32
    %add3A_500 = arith.addi %mul3A_2, %add3A_499 : i32
    %dma_start3A_501 = arith.constant 0 : i32
    %dma_start3A_502 = arith.constant 0 : i32
    %dma_start3A_503 = arith.constant 0 : i32
    %dma_start3A_504 = tpu.memref_slice %arg4[%dma_start3A_502, %dma_start3A_503] : memref<64x1024xf32, #tpu.memory_space<vmem>> -> memref<16x1024xf32, #tpu.memory_space<vmem>>
    %dma_start3A_505 = arith.constant 0 : i32
    %dma_start3A_506 = tpu.memref_slice %arg3[%dma_start3A_501, %add3A_500, %dma_start3A_505] : memref<4x8192x1024xf32, #tpu.memory_space<hbm>> -> memref<1x16x1024xf32, #tpu.memory_space<hbm>>
    %dma_start3A_507 = tpu.memref_squeeze %dma_start3A_506 : memref<1x16x1024xf32, #tpu.memory_space<hbm>> -> memref<16x1024xf32, #tpu.memory_space<hbm>>
    %dma_start3A_508 = arith.constant 0 : i32
    %dma_start3A_509 = tpu.memref_slice %arg3[%dma_start3A_501, %add3A_500, %dma_start3A_508] : memref<4x8192x1024xf32, #tpu.memory_space<hbm>> -> memref<1x16x1024xf32, #tpu.memory_space<hbm>>
    %dma_start3A_510 = tpu.memref_squeeze %dma_start3A_509 : memref<1x16x1024xf32, #tpu.memory_space<hbm>> -> memref<16x1024xf32, #tpu.memory_space<hbm>>
    %dma_start3A_511 = arith.constant 0 : i32
    %dma_start3A_512 = arith.constant 0 : i32
    %dma_start3A_513 = tpu.memref_slice %arg4[%dma_start3A_511, %dma_start3A_512] : memref<64x1024xf32, #tpu.memory_space<vmem>> -> memref<16x1024xf32, #tpu.memory_space<vmem>>
    tpu.enqueue_dma source(%dma_start3A_513 : memref<16x1024xf32, #tpu.memory_space<vmem>>) target(%dma_start3A_510 : memref<16x1024xf32, #tpu.memory_space<hbm>>) target_semaphore(%arg8 : memref<!tpu.dma_semaphore, #tpu.memory_space<semaphore_mem>>)
    %dma_start3A_514 = arith.constant 1 : i32
    %dma_start3A_515 = arith.constant 0 : i32
    %dma_start3A_516 = arith.constant 0 : i32
    %dma_start3A_517 = tpu.memref_slice %arg4[%dma_start3A_515, %dma_start3A_516] : memref<64x1024xf32, #tpu.memory_space<vmem>> -> memref<16x1024xf32, #tpu.memory_space<vmem>>
    %dma_start3A_518 = arith.constant 0 : i32
    %dma_start3A_519 = tpu.memref_slice %arg3[%dma_start3A_514, %add3A_500, %dma_start3A_518] : memref<4x8192x1024xf32, #tpu.memory_space<hbm>> -> memref<1x16x1024xf32, #tpu.memory_space<hbm>>
    %dma_start3A_520 = tpu.memref_squeeze %dma_start3A_519 : memref<1x16x1024xf32, #tpu.memory_space<hbm>> -> memref<16x1024xf32, #tpu.memory_space<hbm>>
    %dma_start3A_521 = arith.constant 0 : i32
    %dma_start3A_522 = tpu.memref_slice %arg3[%dma_start3A_514, %add3A_500, %dma_start3A_521] : memref<4x8192x1024xf32, #tpu.memory_space<hbm>> -> memref<1x16x1024xf32, #tpu.memory_space<hbm>>
    %dma_start3A_523 = tpu.memref_squeeze %dma_start3A_522 : memref<1x16x1024xf32, #tpu.memory_space<hbm>> -> memref<16x1024xf32, #tpu.memory_space<hbm>>
    %dma_start3A_524 = arith.constant 0 : i32
    %dma_start3A_525 = arith.constant 0 : i32
    %dma_start3A_526 = tpu.memref_slice %arg4[%dma_start3A_524, %dma_start3A_525] : memref<64x1024xf32, #tpu.memory_space<vmem>> -> memref<16x1024xf32, #tpu.memory_space<vmem>>
    tpu.enqueue_dma source(%dma_start3A_526 : memref<16x1024xf32, #tpu.memory_space<vmem>>) target(%dma_start3A_523 : memref<16x1024xf32, #tpu.memory_space<hbm>>) target_semaphore(%arg8 : memref<!tpu.dma_semaphore, #tpu.memory_space<semaphore_mem>>)
    %dma_start3A_527 = arith.constant 2 : i32
    %dma_start3A_528 = arith.constant 0 : i32
    %dma_start3A_529 = arith.constant 0 : i32
    %dma_start3A_530 = tpu.memref_slice %arg4[%dma_start3A_528, %dma_start3A_529] : memref<64x1024xf32, #tpu.memory_space<vmem>> -> memref<16x1024xf32, #tpu.memory_space<vmem>>
    %dma_start3A_531 = arith.constant 0 : i32
    %dma_start3A_532 = tpu.memref_slice %arg3[%dma_start3A_527, %add3A_500, %dma_start3A_531] : memref<4x8192x1024xf32, #tpu.memory_space<hbm>> -> memref<1x16x1024xf32, #tpu.memory_space<hbm>>
    %dma_start3A_533 = tpu.memref_squeeze %dma_start3A_532 : memref<1x16x1024xf32, #tpu.memory_space<hbm>> -> memref<16x1024xf32, #tpu.memory_space<hbm>>
    %dma_start3A_534 = arith.constant 0 : i32
    %dma_start3A_535 = tpu.memref_slice %arg3[%dma_start3A_527, %add3A_500, %dma_start3A_534] : memref<4x8192x1024xf32, #tpu.memory_space<hbm>> -> memref<1x16x1024xf32, #tpu.memory_space<hbm>>
    %dma_start3A_536 = tpu.memref_squeeze %dma_start3A_535 : memref<1x16x1024xf32, #tpu.memory_space<hbm>> -> memref<16x1024xf32, #tpu.memory_space<hbm>>
    %dma_start3A_537 = arith.constant 0 : i32
    %dma_start3A_538 = arith.constant 0 : i32
    %dma_start3A_539 = tpu.memref_slice %arg4[%dma_start3A_537, %dma_start3A_538] : memref<64x1024xf32, #tpu.memory_space<vmem>> -> memref<16x1024xf32, #tpu.memory_space<vmem>>
    tpu.enqueue_dma source(%dma_start3A_539 : memref<16x1024xf32, #tpu.memory_space<vmem>>) target(%dma_start3A_536 : memref<16x1024xf32, #tpu.memory_space<hbm>>) target_semaphore(%arg8 : memref<!tpu.dma_semaphore, #tpu.memory_space<semaphore_mem>>)
    %dma_start3A_540 = arith.constant 3 : i32
    %dma_start3A_541 = arith.constant 0 : i32
    %dma_start3A_542 = arith.constant 0 : i32
    %dma_start3A_543 = tpu.memref_slice %arg4[%dma_start3A_541, %dma_start3A_542] : memref<64x1024xf32, #tpu.memory_space<vmem>> -> memref<16x1024xf32, #tpu.memory_space<vmem>>
    %dma_start3A_544 = arith.constant 0 : i32
    %dma_start3A_545 = tpu.memref_slice %arg3[%dma_start3A_540, %add3A_500, %dma_start3A_544] : memref<4x8192x1024xf32, #tpu.memory_space<hbm>> -> memref<1x16x1024xf32, #tpu.memory_space<hbm>>
    %dma_start3A_546 = tpu.memref_squeeze %dma_start3A_545 : memref<1x16x1024xf32, #tpu.memory_space<hbm>> -> memref<16x1024xf32, #tpu.memory_space<hbm>>
    %dma_start3A_547 = arith.constant 0 : i32
    %dma_start3A_548 = tpu.memref_slice %arg3[%dma_start3A_540, %add3A_500, %dma_start3A_547] : memref<4x8192x1024xf32, #tpu.memory_space<hbm>> -> memref<1x16x1024xf32, #tpu.memory_space<hbm>>
    %dma_start3A_549 = tpu.memref_squeeze %dma_start3A_548 : memref<1x16x1024xf32, #tpu.memory_space<hbm>> -> memref<16x1024xf32, #tpu.memory_space<hbm>>
    %dma_start3A_550 = arith.constant 0 : i32
    %dma_start3A_551 = arith.constant 0 : i32
    %dma_start3A_552 = tpu.memref_slice %arg4[%dma_start3A_550, %dma_start3A_551] : memref<64x1024xf32, #tpu.memory_space<vmem>> -> memref<16x1024xf32, #tpu.memory_space<vmem>>
    tpu.enqueue_dma source(%dma_start3A_552 : memref<16x1024xf32, #tpu.memory_space<vmem>>) target(%dma_start3A_549 : memref<16x1024xf32, #tpu.memory_space<hbm>>) target_semaphore(%arg8 : memref<!tpu.dma_semaphore, #tpu.memory_space<semaphore_mem>>)
    %add3A_553 = arith.constant 184 : i32
    %add3A_554 = arith.addi %mul3A_2, %add3A_553 : i32
    %dma_wait3A_555 = arith.constant 0 : i32
    %dma_wait3A_556 = arith.constant 0 : i32
    %dma_wait3A_557 = arith.constant 0 : i32
    %dma_wait3A_558 = tpu.memref_slice %arg5[%dma_wait3A_556, %dma_wait3A_557] : memref<56x1024xf32, #tpu.memory_space<vmem>> -> memref<56x1024xf32, #tpu.memory_space<vmem>>
    %dma_wait3A_559 = arith.constant 0 : i32
    %dma_wait3A_560 = tpu.memref_slice %arg3[%dma_wait3A_555, %add3A_554, %dma_wait3A_559] : memref<4x8192x1024xf32, #tpu.memory_space<hbm>> -> memref<1x56x1024xf32, #tpu.memory_space<hbm>>
    %dma_wait3A_561 = tpu.memref_squeeze %dma_wait3A_560 : memref<1x56x1024xf32, #tpu.memory_space<hbm>> -> memref<56x1024xf32, #tpu.memory_space<hbm>>
    %dma_wait3A_562 = arith.constant 0 : i32
    %dma_wait3A_563 = tpu.memref_slice %arg3[%dma_wait3A_555, %add3A_554, %dma_wait3A_562] : memref<4x8192x1024xf32, #tpu.memory_space<hbm>> -> memref<1x56x1024xf32, #tpu.memory_space<hbm>>
    %dma_wait3A_564 = tpu.memref_squeeze %dma_wait3A_563 : memref<1x56x1024xf32, #tpu.memory_space<hbm>> -> memref<56x1024xf32, #tpu.memory_space<hbm>>
    %dma_wait3A_565 = arith.constant 0 : i32
    %dma_wait3A_566 = arith.constant 0 : i32
    %dma_wait3A_567 = tpu.memref_slice %arg5[%dma_wait3A_565, %dma_wait3A_566] : memref<56x1024xf32, #tpu.memory_space<vmem>> -> memref<56x1024xf32, #tpu.memory_space<vmem>>
    tpu.wait_dma2 semaphore(%arg9 : memref<!tpu.dma_semaphore, #tpu.memory_space<semaphore_mem>>) src(%dma_wait3A_567 : memref<56x1024xf32, #tpu.memory_space<vmem>>) dst(%dma_wait3A_564 : memref<56x1024xf32, #tpu.memory_space<hbm>>)
    %dma_wait3A_568 = arith.constant 1 : i32
    %dma_wait3A_569 = arith.constant 0 : i32
    %dma_wait3A_570 = arith.constant 0 : i32
    %dma_wait3A_571 = tpu.memref_slice %arg5[%dma_wait3A_569, %dma_wait3A_570] : memref<56x1024xf32, #tpu.memory_space<vmem>> -> memref<56x1024xf32, #tpu.memory_space<vmem>>
    %dma_wait3A_572 = arith.constant 0 : i32
    %dma_wait3A_573 = tpu.memref_slice %arg3[%dma_wait3A_568, %add3A_554, %dma_wait3A_572] : memref<4x8192x1024xf32, #tpu.memory_space<hbm>> -> memref<1x56x1024xf32, #tpu.memory_space<hbm>>
    %dma_wait3A_574 = tpu.memref_squeeze %dma_wait3A_573 : memref<1x56x1024xf32, #tpu.memory_space<hbm>> -> memref<56x1024xf32, #tpu.memory_space<hbm>>
    %dma_wait3A_575 = arith.constant 0 : i32
    %dma_wait3A_576 = tpu.memref_slice %arg3[%dma_wait3A_568, %add3A_554, %dma_wait3A_575] : memref<4x8192x1024xf32, #tpu.memory_space<hbm>> -> memref<1x56x1024xf32, #tpu.memory_space<hbm>>
    %dma_wait3A_577 = tpu.memref_squeeze %dma_wait3A_576 : memref<1x56x1024xf32, #tpu.memory_space<hbm>> -> memref<56x1024xf32, #tpu.memory_space<hbm>>
    %dma_wait3A_578 = arith.constant 0 : i32
    %dma_wait3A_579 = arith.constant 0 : i32
    %dma_wait3A_580 = tpu.memref_slice %arg5[%dma_wait3A_578, %dma_wait3A_579] : memref<56x1024xf32, #tpu.memory_space<vmem>> -> memref<56x1024xf32, #tpu.memory_space<vmem>>
    tpu.wait_dma2 semaphore(%arg9 : memref<!tpu.dma_semaphore, #tpu.memory_space<semaphore_mem>>) src(%dma_wait3A_580 : memref<56x1024xf32, #tpu.memory_space<vmem>>) dst(%dma_wait3A_577 : memref<56x1024xf32, #tpu.memory_space<hbm>>)
    %dma_wait3A_581 = arith.constant 2 : i32
    %dma_wait3A_582 = arith.constant 0 : i32
    %dma_wait3A_583 = arith.constant 0 : i32
    %dma_wait3A_584 = tpu.memref_slice %arg5[%dma_wait3A_582, %dma_wait3A_583] : memref<56x1024xf32, #tpu.memory_space<vmem>> -> memref<56x1024xf32, #tpu.memory_space<vmem>>
    %dma_wait3A_585 = arith.constant 0 : i32
    %dma_wait3A_586 = tpu.memref_slice %arg3[%dma_wait3A_581, %add3A_554, %dma_wait3A_585] : memref<4x8192x1024xf32, #tpu.memory_space<hbm>> -> memref<1x56x1024xf32, #tpu.memory_space<hbm>>
    %dma_wait3A_587 = tpu.memref_squeeze %dma_wait3A_586 : memref<1x56x1024xf32, #tpu.memory_space<hbm>> -> memref<56x1024xf32, #tpu.memory_space<hbm>>
    %dma_wait3A_588 = arith.constant 0 : i32
    %dma_wait3A_589 = tpu.memref_slice %arg3[%dma_wait3A_581, %add3A_554, %dma_wait3A_588] : memref<4x8192x1024xf32, #tpu.memory_space<hbm>> -> memref<1x56x1024xf32, #tpu.memory_space<hbm>>
    %dma_wait3A_590 = tpu.memref_squeeze %dma_wait3A_589 : memref<1x56x1024xf32, #tpu.memory_space<hbm>> -> memref<56x1024xf32, #tpu.memory_space<hbm>>
    %dma_wait3A_591 = arith.constant 0 : i32
    %dma_wait3A_592 = arith.constant 0 : i32
    %dma_wait3A_593 = tpu.memref_slice %arg5[%dma_wait3A_591, %dma_wait3A_592] : memref<56x1024xf32, #tpu.memory_space<vmem>> -> memref<56x1024xf32, #tpu.memory_space<vmem>>
    tpu.wait_dma2 semaphore(%arg9 : memref<!tpu.dma_semaphore, #tpu.memory_space<semaphore_mem>>) src(%dma_wait3A_593 : memref<56x1024xf32, #tpu.memory_space<vmem>>) dst(%dma_wait3A_590 : memref<56x1024xf32, #tpu.memory_space<hbm>>)
    %dma_wait3A_594 = arith.constant 3 : i32
    %dma_wait3A_595 = arith.constant 0 : i32
    %dma_wait3A_596 = arith.constant 0 : i32
    %dma_wait3A_597 = tpu.memref_slice %arg5[%dma_wait3A_595, %dma_wait3A_596] : memref<56x1024xf32, #tpu.memory_space<vmem>> -> memref<56x1024xf32, #tpu.memory_space<vmem>>
    %dma_wait3A_598 = arith.constant 0 : i32
    %dma_wait3A_599 = tpu.memref_slice %arg3[%dma_wait3A_594, %add3A_554, %dma_wait3A_598] : memref<4x8192x1024xf32, #tpu.memory_space<hbm>> -> memref<1x56x1024xf32, #tpu.memory_space<hbm>>
    %dma_wait3A_600 = tpu.memref_squeeze %dma_wait3A_599 : memref<1x56x1024xf32, #tpu.memory_space<hbm>> -> memref<56x1024xf32, #tpu.memory_space<hbm>>
    %dma_wait3A_601 = arith.constant 0 : i32
    %dma_wait3A_602 = tpu.memref_slice %arg3[%dma_wait3A_594, %add3A_554, %dma_wait3A_601] : memref<4x8192x1024xf32, #tpu.memory_space<hbm>> -> memref<1x56x1024xf32, #tpu.memory_space<hbm>>
    %dma_wait3A_603 = tpu.memref_squeeze %dma_wait3A_602 : memref<1x56x1024xf32, #tpu.memory_space<hbm>> -> memref<56x1024xf32, #tpu.memory_space<hbm>>
    %dma_wait3A_604 = arith.constant 0 : i32
    %dma_wait3A_605 = arith.constant 0 : i32
    %dma_wait3A_606 = tpu.memref_slice %arg5[%dma_wait3A_604, %dma_wait3A_605] : memref<56x1024xf32, #tpu.memory_space<vmem>> -> memref<56x1024xf32, #tpu.memory_space<vmem>>
    tpu.wait_dma2 semaphore(%arg9 : memref<!tpu.dma_semaphore, #tpu.memory_space<semaphore_mem>>) src(%dma_wait3A_606 : memref<56x1024xf32, #tpu.memory_space<vmem>>) dst(%dma_wait3A_603 : memref<56x1024xf32, #tpu.memory_space<hbm>>)
    %add3A_607 = arith.constant 240 : i32
    %add3A_608 = arith.addi %mul3A_2, %add3A_607 : i32
    %dma_wait3A_609 = arith.constant 0 : i32
    %dma_wait3A_610 = arith.constant 0 : i32
    %dma_wait3A_611 = arith.constant 0 : i32
    %dma_wait3A_612 = tpu.memref_slice %arg4[%dma_wait3A_610, %dma_wait3A_611] : memref<64x1024xf32, #tpu.memory_space<vmem>> -> memref<16x1024xf32, #tpu.memory_space<vmem>>
    %dma_wait3A_613 = arith.constant 0 : i32
    %dma_wait3A_614 = tpu.memref_slice %arg3[%dma_wait3A_609, %add3A_608, %dma_wait3A_613] : memref<4x8192x1024xf32, #tpu.memory_space<hbm>> -> memref<1x16x1024xf32, #tpu.memory_space<hbm>>
    %dma_wait3A_615 = tpu.memref_squeeze %dma_wait3A_614 : memref<1x16x1024xf32, #tpu.memory_space<hbm>> -> memref<16x1024xf32, #tpu.memory_space<hbm>>
    %dma_wait3A_616 = arith.constant 0 : i32
    %dma_wait3A_617 = tpu.memref_slice %arg3[%dma_wait3A_609, %add3A_608, %dma_wait3A_616] : memref<4x8192x1024xf32, #tpu.memory_space<hbm>> -> memref<1x16x1024xf32, #tpu.memory_space<hbm>>
    %dma_wait3A_618 = tpu.memref_squeeze %dma_wait3A_617 : memref<1x16x1024xf32, #tpu.memory_space<hbm>> -> memref<16x1024xf32, #tpu.memory_space<hbm>>
    %dma_wait3A_619 = arith.constant 0 : i32
    %dma_wait3A_620 = arith.constant 0 : i32
    %dma_wait3A_621 = tpu.memref_slice %arg4[%dma_wait3A_619, %dma_wait3A_620] : memref<64x1024xf32, #tpu.memory_space<vmem>> -> memref<16x1024xf32, #tpu.memory_space<vmem>>
    tpu.wait_dma2 semaphore(%arg8 : memref<!tpu.dma_semaphore, #tpu.memory_space<semaphore_mem>>) src(%dma_wait3A_621 : memref<16x1024xf32, #tpu.memory_space<vmem>>) dst(%dma_wait3A_618 : memref<16x1024xf32, #tpu.memory_space<hbm>>)
    %dma_wait3A_622 = arith.constant 1 : i32
    %dma_wait3A_623 = arith.constant 0 : i32
    %dma_wait3A_624 = arith.constant 0 : i32
    %dma_wait3A_625 = tpu.memref_slice %arg4[%dma_wait3A_623, %dma_wait3A_624] : memref<64x1024xf32, #tpu.memory_space<vmem>> -> memref<16x1024xf32, #tpu.memory_space<vmem>>
    %dma_wait3A_626 = arith.constant 0 : i32
    %dma_wait3A_627 = tpu.memref_slice %arg3[%dma_wait3A_622, %add3A_608, %dma_wait3A_626] : memref<4x8192x1024xf32, #tpu.memory_space<hbm>> -> memref<1x16x1024xf32, #tpu.memory_space<hbm>>
    %dma_wait3A_628 = tpu.memref_squeeze %dma_wait3A_627 : memref<1x16x1024xf32, #tpu.memory_space<hbm>> -> memref<16x1024xf32, #tpu.memory_space<hbm>>
    %dma_wait3A_629 = arith.constant 0 : i32
    %dma_wait3A_630 = tpu.memref_slice %arg3[%dma_wait3A_622, %add3A_608, %dma_wait3A_629] : memref<4x8192x1024xf32, #tpu.memory_space<hbm>> -> memref<1x16x1024xf32, #tpu.memory_space<hbm>>
    %dma_wait3A_631 = tpu.memref_squeeze %dma_wait3A_630 : memref<1x16x1024xf32, #tpu.memory_space<hbm>> -> memref<16x1024xf32, #tpu.memory_space<hbm>>
    %dma_wait3A_632 = arith.constant 0 : i32
    %dma_wait3A_633 = arith.constant 0 : i32
    %dma_wait3A_634 = tpu.memref_slice %arg4[%dma_wait3A_632, %dma_wait3A_633] : memref<64x1024xf32, #tpu.memory_space<vmem>> -> memref<16x1024xf32, #tpu.memory_space<vmem>>
    tpu.wait_dma2 semaphore(%arg8 : memref<!tpu.dma_semaphore, #tpu.memory_space<semaphore_mem>>) src(%dma_wait3A_634 : memref<16x1024xf32, #tpu.memory_space<vmem>>) dst(%dma_wait3A_631 : memref<16x1024xf32, #tpu.memory_space<hbm>>)
    %dma_wait3A_635 = arith.constant 2 : i32
    %dma_wait3A_636 = arith.constant 0 : i32
    %dma_wait3A_637 = arith.constant 0 : i32
    %dma_wait3A_638 = tpu.memref_slice %arg4[%dma_wait3A_636, %dma_wait3A_637] : memref<64x1024xf32, #tpu.memory_space<vmem>> -> memref<16x1024xf32, #tpu.memory_space<vmem>>
    %dma_wait3A_639 = arith.constant 0 : i32
    %dma_wait3A_640 = tpu.memref_slice %arg3[%dma_wait3A_635, %add3A_608, %dma_wait3A_639] : memref<4x8192x1024xf32, #tpu.memory_space<hbm>> -> memref<1x16x1024xf32, #tpu.memory_space<hbm>>
    %dma_wait3A_641 = tpu.memref_squeeze %dma_wait3A_640 : memref<1x16x1024xf32, #tpu.memory_space<hbm>> -> memref<16x1024xf32, #tpu.memory_space<hbm>>
    %dma_wait3A_642 = arith.constant 0 : i32
    %dma_wait3A_643 = tpu.memref_slice %arg3[%dma_wait3A_635, %add3A_608, %dma_wait3A_642] : memref<4x8192x1024xf32, #tpu.memory_space<hbm>> -> memref<1x16x1024xf32, #tpu.memory_space<hbm>>
    %dma_wait3A_644 = tpu.memref_squeeze %dma_wait3A_643 : memref<1x16x1024xf32, #tpu.memory_space<hbm>> -> memref<16x1024xf32, #tpu.memory_space<hbm>>
    %dma_wait3A_645 = arith.constant 0 : i32
    %dma_wait3A_646 = arith.constant 0 : i32
    %dma_wait3A_647 = tpu.memref_slice %arg4[%dma_wait3A_645, %dma_wait3A_646] : memref<64x1024xf32, #tpu.memory_space<vmem>> -> memref<16x1024xf32, #tpu.memory_space<vmem>>
    tpu.wait_dma2 semaphore(%arg8 : memref<!tpu.dma_semaphore, #tpu.memory_space<semaphore_mem>>) src(%dma_wait3A_647 : memref<16x1024xf32, #tpu.memory_space<vmem>>) dst(%dma_wait3A_644 : memref<16x1024xf32, #tpu.memory_space<hbm>>)
    %dma_wait3A_648 = arith.constant 3 : i32
    %dma_wait3A_649 = arith.constant 0 : i32
    %dma_wait3A_650 = arith.constant 0 : i32
    %dma_wait3A_651 = tpu.memref_slice %arg4[%dma_wait3A_649, %dma_wait3A_650] : memref<64x1024xf32, #tpu.memory_space<vmem>> -> memref<16x1024xf32, #tpu.memory_space<vmem>>
    %dma_wait3A_652 = arith.constant 0 : i32
    %dma_wait3A_653 = tpu.memref_slice %arg3[%dma_wait3A_648, %add3A_608, %dma_wait3A_652] : memref<4x8192x1024xf32, #tpu.memory_space<hbm>> -> memref<1x16x1024xf32, #tpu.memory_space<hbm>>
    %dma_wait3A_654 = tpu.memref_squeeze %dma_wait3A_653 : memref<1x16x1024xf32, #tpu.memory_space<hbm>> -> memref<16x1024xf32, #tpu.memory_space<hbm>>
    %dma_wait3A_655 = arith.constant 0 : i32
    %dma_wait3A_656 = tpu.memref_slice %arg3[%dma_wait3A_648, %add3A_608, %dma_wait3A_655] : memref<4x8192x1024xf32, #tpu.memory_space<hbm>> -> memref<1x16x1024xf32, #tpu.memory_space<hbm>>
    %dma_wait3A_657 = tpu.memref_squeeze %dma_wait3A_656 : memref<1x16x1024xf32, #tpu.memory_space<hbm>> -> memref<16x1024xf32, #tpu.memory_space<hbm>>
    %dma_wait3A_658 = arith.constant 0 : i32
    %dma_wait3A_659 = arith.constant 0 : i32
    %dma_wait3A_660 = tpu.memref_slice %arg4[%dma_wait3A_658, %dma_wait3A_659] : memref<64x1024xf32, #tpu.memory_space<vmem>> -> memref<16x1024xf32, #tpu.memory_space<vmem>>
    tpu.wait_dma2 semaphore(%arg8 : memref<!tpu.dma_semaphore, #tpu.memory_space<semaphore_mem>>) src(%dma_wait3A_660 : memref<16x1024xf32, #tpu.memory_space<vmem>>) dst(%dma_wait3A_657 : memref<16x1024xf32, #tpu.memory_space<hbm>>)
    return
  }
}

</mosaic_0001>

<sc_bundles>
// kernel: kernel.3.cloned.1.call-start
scs
__scs_entry_jumppad:
0x0: {  	(pc) =	sbr.rel $0x88, $3  }
0x1: {  	(tag) =	ssettag $0x0;
	lr =	simm.s32 $0x1  }
0x2: {  	[smem:$0x3FA0] =	sst lr;
	_ =	strace $0xD0000000  }
0x3: {  	_ = 	snop  }
0x4: {  	_ = 	snop  }
0x5: {  	_ = 	snop  }
0x6: {  	_ = 	snop  }
0x7: {  	_ = 	snop  }
__scs_overlays_trampoline_lowered:
0x8: {  	[smem:$0x3FAF] =	sst s0  }
0x9: {  	[smem:$0x3FB0] =	sst s1  }
0xa: {  	[smem:$0x3FB1] =	sst s2  }
0xb: {  	[smem:$0x3FB2] =	sst s3  }
0xc: {  	[smem:$0x3FB3] =	sst s4  }
0xd: {  	[smem:$0x3FB4] =	sst s5  }
0xe: {  	[smem:$0x3FB5] =	sst s6  }
0xf: {  	[smem:$0x3FB6] =	sst s7  }
0x10: {  	[smem:$0x3FB7] =	sst s8  }
0x11: {  	[smem:$0x3FB8] =	sst s9;
	s0 =	simm.s32 @!p0 $0x0  }
0x12: {  	s1 =	sld [smem:$0x3F9E];
	s0 =	simm.s32 @p0 $0x1  }
0x13: {  	[smem:$0x3FB9] =	sst s0;
	s0 =	simm.s32 @!p1 $0x0  }
0x14: {  	s2 =	sld [smem:$0x3F9D];
	s0 =	simm.s32 @p1 $0x1  }
0x15: {  	[smem:$0x3FBA] =	sst s0;
	s0 =	simm.s32 @!p2 $0x0  }
0x16: {  	s3 =	sld [smem:$0x3FDB];
	s0 =	simm.s32 @p2 $0x1  }
0x17: {  	s4 =	simm.s32 $0x1BF5;
	[smem:$0x3FBC] =	sst s0  }
0x18: {  	s0 =	sld [smem:$0x3F9F];
	_ =	swait.ge [sflag:s4], $0x0  }
0x19: {  	s7 =	sld [smem:$0x3FA0]  }
0x1a: {  	s8 =	sadd.s32 $0xFFFFE003, lr  }
0x1b: {  	s9 =	sadd.s32 $0xFFFFFEF7, lr;
	s5 =	simm.s32 $0xFFFFFFFF;
	p2 =	slt.u32 s8, $0xFFFFF086  }
0x1c: {  	p1 =	slt.u32 s9, $0xF7A;
	s5 =	simm.s32 @!p2 $0x0  }
0x1d: {  	s5 =	simm.s32 @p1 $0x1;
	p0 =	seq.s32 s7, s2  }
0x1e: {  	s7 =	smul.u32 @!p0 $0xF7A, s2;
	p2 =	seq.s32 @!p0 s5, $0x0  }
0x1f: {  	s9 =	smul.u32 $0xF7A, s1;
	s8 =	simm.s32 @!p0 $0x1BF5;
	p2 =	por !p2, p0  }
0x20: {  	[sflag:s8] =	ssyncset.s32 @!p0 $0xFFFFF086;
	s6 =	sadd.s32 @!p0 s3, s7;
	s7 =	simm.s32 @!p0 $0x108  }
0x21: {  	s3 =	sadd.s32 s3, s9;
	s6 =	sadd.s32 @!p0 $0x88, s6;
	s7 =	simm.s32 @p2 $0x1082  }
0x22: {  	[simem:s7], [sflag:s8] =	dma.local @!p0 [hbm:s6], $0xF7A  }
0x23: {  	s9 =	sor.u32 $0xD0000000, s2;
	s6 =	simm.s32 $0x108;
	_ =	swait.ge @!p0 [sflag:s8], $0x0  }
0x24: {  	s3 =	sadd.s32 $0x88, s3;
	s6 =	simm.s32 @!p1 $0x1082;
	[sflag:s4] =	ssyncset.s32 $0xFFFFF086  }
0x25: {  	[simem:s6], [sflag:s4] =	dma.local [hbm:s3], $0xF7A  }
0x26: {  	[smem:$0x3FA0] =	sst s1;
	(tag) =	ssettag s2;
	_ =	strace s9  }
0x27: {  	s1 =	sld [smem:$0x3FB0]  }
0x28: {  	s2 =	sld [smem:$0x3FB1]  }
0x29: {  	s4 =	sld [smem:$0x3FB3]  }
0x2a: {  	p0 =	seq.s32 s5, $0x0;
	s5 =	sld [smem:$0x3FB4]  }
0x2b: {  	s6 =	sld [smem:$0x3FB5]  }
0x2c: {  	s7 =	sld [smem:$0x3FB6]  }
0x2d: {  	s3 =	simm.s32 $0x108;
	s8 =	sld [smem:$0x3FB7]  }
0x2e: {  	s3 =	simm.s32 @!p0 $0x1082;
	s9 =	sld [smem:$0x3FB8]  }
0x2f: {  	lr =	sadd.s32 s0, s3;
	s0 =	sld [smem:$0x3FAF]  }
0x30: {  	s3 =	sld [smem:$0x3FB2]  }
0x31: {  	[smem:$0x3FBB] =	sst s10  }
0x32: {  	s10 =	sld [smem:$0x3FB9];
	_ =	sdelay $0x3  }
0x33: {  	p0 =	seq.s32 s10, $0x1;
	s10 =	sld [smem:$0x3FBB];
	_ =	sdelay $0x3  }
0x34: {  	[smem:$0x3FBB] =	sst s10  }
0x35: {  	s10 =	sld [smem:$0x3FBA];
	_ =	sdelay $0x3  }
0x36: {  	p1 =	seq.s32 s10, $0x1;
	s10 =	sld [smem:$0x3FBB];
	_ =	sdelay $0x3  }
0x37: {  	[smem:$0x3FBB] =	sst s10  }
0x38: {  	s10 =	sld [smem:$0x3FBC]  }
0x39: {  	_ = 	snop;
	(pc) =	sbr.ind lr, $3  }
0x3a: {  	_ = 	snop  }
0x3b: {  	_ = 	snop  }
0x3c: {  	p2 =	seq.s32 s10, $0x1;
	s10 =	sld [smem:$0x3FBB]  }
0x3d: {  	_ =	shalt  }
0x3e: {  	_ =	shalt  }
0x3f: {  	_ =	shalt  }
0x40: {  	_ =	shalt  }
0x41: {  	_ =	shalt  }
0x42: {  	_ =	shalt  }
0x43: {  	_ =	shalt  }
0x44: {  	_ =	shalt  }
0x45: {  	_ =	shalt  }
0x46: {  	_ =	shalt  }
0x47: {  	_ =	shalt  }
0x48: {  	_ =	shalt  }
0x49: {  	_ =	shalt  }
0x4a: {  	_ =	shalt  }
0x4b: {  	_ =	shalt  }
0x4c: {  	_ =	shalt  }
0x4d: {  	_ =	shalt  }
0x4e: {  	_ =	shalt  }
0x4f: {  	_ =	shalt  }
0x50: {  	_ =	shalt  }
0x51: {  	_ =	shalt  }
0x52: {  	_ =	shalt  }
0x53: {  	_ =	shalt  }
0x54: {  	_ =	shalt  }
0x55: {  	_ =	shalt  }
0x56: {  	_ =	shalt  }
0x57: {  	_ =	shalt  }
0x58: {  	_ =	shalt  }
0x59: {  	_ =	shalt  }
0x5a: {  	_ =	shalt  }
0x5b: {  	_ =	shalt  }
0x5c: {  	_ =	shalt  }
0x5d: {  	_ =	shalt  }
0x5e: {  	_ =	shalt  }
0x5f: {  	_ =	shalt  }
0x60: {  	_ =	shalt  }
0x61: {  	_ =	shalt  }
0x62: {  	_ =	shalt  }
0x63: {  	_ =	shalt  }
0x64: {  	_ =	shalt  }
0x65: {  	_ =	shalt  }
0x66: {  	_ =	shalt  }
0x67: {  	_ =	shalt  }
0x68: {  	_ =	shalt  }
0x69: {  	_ =	shalt  }
0x6a: {  	_ =	shalt  }
0x6b: {  	_ =	shalt  }
0x6c: {  	_ =	shalt  }
0x6d: {  	_ =	shalt  }
0x6e: {  	_ =	shalt  }
0x6f: {  	_ =	shalt  }
0x70: {  	_ =	shalt  }
0x71: {  	_ =	shalt  }
0x72: {  	_ =	shalt  }
0x73: {  	_ =	shalt  }
0x74: {  	_ =	shalt  }
0x75: {  	_ =	shalt  }
0x76: {  	_ =	shalt  }
0x77: {  	_ =	shalt  }
0x78: {  	_ =	shalt  }
0x79: {  	_ =	shalt  }
0x7a: {  	_ =	shalt  }
0x7b: {  	_ =	shalt  }
0x7c: {  	_ =	shalt  }
0x7d: {  	_ =	shalt  }
0x7e: {  	_ =	shalt  }
0x7f: {  	_ =	shalt  }
0x80: {  	_ =	shalt  }
0x81: {  	_ =	shalt  }
0x82: {  	_ =	shalt  }
0x83: {  	_ =	shalt  }
0x84: {  	_ =	shalt  }
0x85: {  	_ =	shalt  }
0x86: {  	_ =	shalt  }
0x87: {  	_ =	shalt  }
.Lfunc_end0:
.L_simem_size_0:
called_computation_lowered:
.L_overlay_start_0:
0x88: {  	s2 =	sld [smem:$0x3FD9]  }
0x89: {  	s3 =	sld [smem:$0x3FFE];
	_ =	sdelay $0x1  }
0x8a: {  	s1 =	srdreg.scid  }
0x8b: {  	s0 =	sand.u32 $0x1, s1  }
0x8c: {  	s18 =	sshll.u32 s0, $0xA;
	s2 =	sadd.s32 s3, s2  }
0x8d: {  	s2 =	sadd.s32 s2, s18  }
0x8e: {  	[smem:$0x3FC7] =	sst s2  }
0x8f: {  	_ = 	snop  }
0x90: {  	s2 =	sld [smem:$0x3FC9]  }
0x91: {  	s19 =	sld [smem:$0x3FD0];
	(tm) =	ssettm $0x1  }
0x92: {  	s4 =	sld [smem:$0x3FFB];
	_ =	sdelay $0x3  }
0x93: {  	_ =	strace s4  }
0x94: {  	s4 =	sld [smem:$0x3FFC];
	_ =	sdelay $0x3  }
0x95: {  	_ =	strace s4  }
0x96: {  	s4 =	sld [smem:$0x3FFD];
	_ =	sdelay $0x3  }
0x97: {  	_ =	strace s4  }
0x98: {  	_ =	strace $0x8FFFFFFF  }
0x99: {  	s20 =	sld [smem:$0x3FDB];
	_ =	sdelay $0x1  }
0x9a: {  	s5 =	simm.s32 $_scs_section_size  }
0x9b: {  	s6 =	simm.s32 $_size__tile_overlayer_lowered;
	s7 =	simm.s32 $_tile_overlayer_lowered  }
0x9c: {  	s23 =	simm.s32 $0x1BFF;
	s22 =	sshll.u32 s7, $0x1;
	s4 =	sadd.s32 s5, s20  }
0x9d: {  	s8 =	simm.s32 $0x0;
	s21 =	sshll.u32 s6, $0x1;
	s6 =	sadd.s32 s22, s4  }
0x9e: {  	[timem:s8], [sflag:s23] =	dma.local [hbm:s6], s21  }
0x9f: {  	_ =	swait.ge [sflag:s23], s21  }
0xa0: {  	s5 =	ssub.s32 $0x0, s21;
	[sflag:s23] =	ssyncset.done $0x0  }
0xa1: {  	[sflag:s23] =	ssyncadd.s32 s5;
	_ =	sdelay $0x1  }
0xa2: {  	s24 =	simm.s32 $0x1B8B  }
0xa3: {  	_ =	swait.ge [sflag:s24], $0x1  }
0xa4: {  	[sflag:s24] =	ssyncset.done $0x0  }
0xa5: {  	s25 =	simm.s32 $0x1B8E;
	[sflag:s24] =	ssyncadd.s32 $0xFFFFFFFF  }
0xa6: {  	s26 =	simm.s32 $execute0_lowered;
	[smem:$0x3FD2] =	sst s25  }
0xa7: {  	s5 =	sshll.u32 s26, $0x1;
	_ =	strace $0x80000046;
	[dreg:$0x1] =	wrdreg $0xFFFFFFFF  }
0xa8: {  	s28 =	simm.s32 $_size_execute0_lowered;
	s4 =	sadd.s32 s4, s5;
	[dreg:$0x0] =	wrdreg $0x0  }
0xa9: {  	s5 =	sshll.u32 s28, $0x1;
	[dreg:$0x2] =	wrdreg s4  }
0xaa: {  	[dreg:$0x3] =	wrdreg s5  }
0xab: {  	[dreg:$0x4] =	wrdreg $0xC0  }
0xac: {  	_ =	task [dreg:s8], $0x5FFFF  }
0xad: {  	[dreg:$0x1] =	wrdreg $0xFFFFFFFF  }
0xae: {  	[dreg:$0x0] =	wrdreg $0x60  }
0xaf: {  	[dreg:$0x2] =	wrdreg s2  }
0xb0: {  	[dreg:$0x3] =	wrdreg s19  }
0xb1: {  	[dreg:$0x4] =	wrdreg $0x9  }
0xb2: {  	_ =	task.clear_ibuf [dreg:s8], $0x5FFFF;
	_ =	strace $0x90000046  }
0xb3: {  	s29 =	simm.s32 $0x9;
	_ =	strace $0x80000048  }
0xb4: {  	_ =	swait.ge [sflag:s29], $0x1  }
0xb5: {  	[sflag:s29] =	ssyncadd.s32 $0xFFFFFFFF  }
0xb6: {  	_ =	strace $0x90000048  }
0xb7: {  	_ =	sfence  }
0xb8: {  	s30 =	sld [smem:$0x0];
	_ =	sdelay $0x2  }
0xb9: {  	s31 =	sshll.u32 s1, $0xD;
	s1 =	sshrl.u32 s1, $0x2  }
0xba: {  	s3 =	sand.u32 $0x4000, s31;
	s1 =	sadd.s32 s1, s30  }
0xbb: {  	s0 =	sor.u32 s3, s0;
	s1 =	sshll.u32 s1, $0x11  }
0xbc: {  	s0 =	sor.u32 s1, s0  }
0xbd: {  	s0 =	sadd.s32 $0x8F2B, s0  }
0xbe: {  	[sflag:s0] =	ssyncadd.remote.s32 $0x1  }
0xbf: {  	_ =	sfence.sel $0xFFFF  }
0xc0: {  	[dreg:$0x0] =	wrdreg $0xFFFFFFFF;
	(pc) =	sbr.abs _section_cstart, $3  }
0xc1: {  	[dreg:$0x1] =	wrdreg $0xFFFFFFFF  }
0xc2: {  	_ =	task.clear_ibuf [dreg:s8], $0x2FFFF;
	_ =	strace $0x9FFFFFFF  }
0xc3: {  	(tm) =	ssettm $0x7FFFFFFF  }
tec
execute0_lowered:
.L_overlay_start_1:
0x0: {  	(tag) =	ssettag $0x1  }
0x1: {  	s0 =	rddreg [dreg:$0x0]  }
0x2: {  	s1 =	rddreg [dreg:$0x1]  }
0x3: {  	s3 =	srdreg.scid;
	s2 =	simm.s32 $0x0;
	s4 =	stileid.u32  }
0x4: {  	p0 =	por $0x0, $0x0;
	s10 =	simm.s32 $0x1;
	s3 =	sand.u32 $0x1, s3  }
0x5: {  	[smem:$0x7FF] =	sst s2;
	s4 =	sshll.u32 s4, $0x10;
	s5 =	sshll.u32 s3, $0xF  }
0x6: {  	_ =	strace $0x80000047;
	s3 =	ssub.s32 $0x2, s3;
	s4 =	sor.u32 s5, s4  }
0x7: {  	s6 =	sshrl.u32 s3, $0x1;
	s5 =	sadd.s32 s0, s4;
	s23 =	sadd.s32 s1, s4  }
0x8: {  	s3 =	ssub.s32 s3, s6;
	s14 =	sor.u32 $0x2000, s4;
	s15 =	sor.u32 $0x3C00, s4  }
0x9: {  	s16 =	sor.u32 $0x5C00, s4;
	s4 =	sor.u32 $0x7800, s4;
	[dreg:$0x3] =	wrdreg s5  }
0xa: {  	s13 =	sadd.s32 $0x100000, s23;
	s29 =	sadd.s32 $0x200000, s23;
	s30 =	sadd.s32 $0x300000, s23  }
0xb: {  	s31 =	sadd.s32 s0, s14;
	s24 =	sadd.s32 s1, s14;
	s25 =	sadd.s32 $0x102000, s23  }
0xc: {  	s26 =	sadd.s32 $0x202000, s23;
	s28 =	sadd.s32 $0x302000, s23;
	s21 =	sadd.s32 s0, s15  }
0xd: {  	s17 =	sadd.s32 $0x103C00, s23;
	s18 =	sadd.s32 $0x203C00, s23;
	s20 =	sadd.s32 s1, s15  }
0xe: {  	s19 =	sadd.s32 $0x303C00, s23;
	s15 =	sadd.s32 s0, s16;
	s22 =	smax.u32 s3, $0x1  }
0xf: {  	s11 =	sadd.s32 $0x105C00, s23;
	s12 =	sadd.s32 $0x205C00, s23;
	p1 =	sne.s32 s22, $0x1  }
.Ltmp0:
0x10: {  	s14 =	sadd.s32 s1, s16;
	s8 =	sadd.s32 s0, s4;
	(pc) =	sbr.rel @!p1 .LBB2_3-.Ltmp0, $4  }
0x11: {  	s5 =	sadd.s32 s1, s4;
	s6 =	sadd.s32 $0x107800, s23;
	s7 =	sadd.s32 $0x207800, s23  }
0x12: {  	s9 =	sadd.s32 $0x307800, s23;
	s16 =	simm.s32 $0x10000;
	s3 =	simm.s32 $0x3  }
0x13: {  	s4 =	simm.s32 $0x4;
	[dreg:$0x4] =	wrdreg s13;
	s13 =	sadd.s32 $0x305C00, s23  }
0x14: {  	s0 =	sadd.s32 $0xFFFFFFFF, s22;
	s22 =	simm.s32 $0x2;
	s1 =	rddreg [dreg:$0x3]  }
0x15: {  	[tilespmem:s2], [sflag:$0x1] =	stream.linear.gather [hbm4b:s1+s2], $0x10000, $0x38;
	[tilespmem:$0x1E000] =	vst v63  }
0x16: {  	_ =	swait.ge [sflag:s10], $0x10000  }
0x17: {  	[sflag:s10] =	ssyncset.done $0x0  }
0x18: {  	[sflag:s10] =	ssyncadd.s32 $0xFFFF0000  }
0x19: {  	[hbm4b:s23+s2] =	stream.linear.scatter [tilespmem:s2], [sflag:$0x3], $0x10000, $0x38;
	[tilespmem:$0x1E000] =	vst v63  }
0x1a: {  	s1 =	rddreg [dreg:$0x4]  }
0x1b: {  	[hbm4b:s1+s2] =	stream.linear.scatter [tilespmem:s2], [sflag:$0x3], $0x10000, $0x38;
	[tilespmem:$0x1E000] =	vst v63  }
0x1c: {  	_ = 	snop  }
0x1d: {  	[hbm4b:s29+s2] =	stream.linear.scatter [tilespmem:s2], [sflag:$0x3], $0x10000, $0x38;
	[tilespmem:$0x1E000] =	vst v63  }
0x1e: {  	_ = 	snop  }
0x1f: {  	[hbm4b:s30+s2] =	stream.linear.scatter [tilespmem:s2], [sflag:$0x3], $0x10000, $0x38;
	[tilespmem:$0x1E000] =	vst v63  }
0x20: {  	_ = 	snop  }
0x21: {  	[tilespmem:s16], [sflag:$0x2] =	stream.linear.gather [hbm4b:s31+s2], $0xE000, $0x38;
	[tilespmem:$0x1E000] =	vst v63  }
0x22: {  	_ =	swait.ge [sflag:s22], $0xE000  }
0x23: {  	[sflag:s22] =	ssyncset.done $0x0  }
0x24: {  	[sflag:s22] =	ssyncadd.s32 $0xFFFF2000  }
0x25: {  	[hbm4b:s24+s2] =	stream.linear.scatter [tilespmem:s16], [sflag:$0x4], $0xE000, $0x38;
	[tilespmem:$0x1E000] =	vst v63  }
0x26: {  	_ = 	snop  }
0x27: {  	[hbm4b:s25+s2] =	stream.linear.scatter [tilespmem:s16], [sflag:$0x4], $0xE000, $0x38;
	[tilespmem:$0x1E000] =	vst v63  }
0x28: {  	_ = 	snop  }
0x29: {  	[hbm4b:s26+s2] =	stream.linear.scatter [tilespmem:s16], [sflag:$0x4], $0xE000, $0x38;
	[tilespmem:$0x1E000] =	vst v63  }
0x2a: {  	_ = 	snop  }
0x2b: {  	[hbm4b:s28+s2] =	stream.linear.scatter [tilespmem:s16], [sflag:$0x4], $0xE000, $0x38;
	[tilespmem:$0x1E000] =	vst v63  }
0x2c: {  	_ =	swait.ge [sflag:s3], $0x10000  }
0x2d: {  	[sflag:s3] =	ssyncset.done $0x0  }
0x2e: {  	[sflag:s3] =	ssyncadd.s32 $0xFFFF0000  }
0x2f: {  	_ =	swait.ge [sflag:s3], $0x10000  }
0x30: {  	[sflag:s3] =	ssyncset.done $0x0  }
0x31: {  	[sflag:s3] =	ssyncadd.s32 $0xFFFF0000  }
0x32: {  	_ =	swait.ge [sflag:s3], $0x10000  }
0x33: {  	[sflag:s3] =	ssyncset.done $0x0  }
0x34: {  	[sflag:s3] =	ssyncadd.s32 $0xFFFF0000  }
0x35: {  	_ =	swait.ge [sflag:s3], $0x10000  }
0x36: {  	[sflag:s3] =	ssyncset.done $0x0  }
0x37: {  	[sflag:s3] =	ssyncadd.s32 $0xFFFF0000  }
0x38: {  	[tilespmem:s2], [sflag:$0x1] =	stream.linear.gather [hbm4b:s21+s2], $0x10000, $0x38;
	[tilespmem:$0x1E000] =	vst v63  }
0x39: {  	_ =	swait.ge [sflag:s10], $0x10000  }
0x3a: {  	[sflag:s10] =	ssyncset.done $0x0  }
0x3b: {  	[sflag:s10] =	ssyncadd.s32 $0xFFFF0000  }
0x3c: {  	[hbm4b:s20+s2] =	stream.linear.scatter [tilespmem:s2], [sflag:$0x3], $0x10000, $0x38;
	[tilespmem:$0x1E000] =	vst v63  }
0x3d: {  	_ = 	snop  }
0x3e: {  	[hbm4b:s17+s2] =	stream.linear.scatter [tilespmem:s2], [sflag:$0x3], $0x10000, $0x38;
	[tilespmem:$0x1E000] =	vst v63  }
0x3f: {  	_ = 	snop  }
0x40: {  	[hbm4b:s18+s2] =	stream.linear.scatter [tilespmem:s2], [sflag:$0x3], $0x10000, $0x38;
	[tilespmem:$0x1E000] =	vst v63  }
0x41: {  	_ = 	snop  }
0x42: {  	[hbm4b:s19+s2] =	stream.linear.scatter [tilespmem:s2], [sflag:$0x3], $0x10000, $0x38;
	[tilespmem:$0x1E000] =	vst v63  }
0x43: {  	_ =	swait.ge [sflag:s4], $0xE000  }
0x44: {  	[sflag:s4] =	ssyncset.done $0x0  }
0x45: {  	[sflag:s4] =	ssyncadd.s32 $0xFFFF2000  }
0x46: {  	_ =	swait.ge [sflag:s4], $0xE000  }
0x47: {  	[sflag:s4] =	ssyncset.done $0x0  }
0x48: {  	[sflag:s4] =	ssyncadd.s32 $0xFFFF2000  }
0x49: {  	_ =	swait.ge [sflag:s4], $0xE000  }
0x4a: {  	[sflag:s4] =	ssyncset.done $0x0  }
0x4b: {  	[sflag:s4] =	ssyncadd.s32 $0xFFFF2000  }
0x4c: {  	_ =	swait.ge [sflag:s4], $0xE000  }
0x4d: {  	[sflag:s4] =	ssyncset.done $0x0  }
0x4e: {  	[sflag:s4] =	ssyncadd.s32 $0xFFFF2000  }
0x4f: {  	[tilespmem:s16], [sflag:$0x2] =	stream.linear.gather [hbm4b:s15+s2], $0xE000, $0x38;
	[tilespmem:$0x1E000] =	vst v63  }
0x50: {  	_ =	swait.ge [sflag:s22], $0xE000  }
0x51: {  	[sflag:s22] =	ssyncset.done $0x0  }
0x52: {  	[sflag:s22] =	ssyncadd.s32 $0xFFFF2000  }
0x53: {  	[hbm4b:s14+s2] =	stream.linear.scatter [tilespmem:s16], [sflag:$0x4], $0xE000, $0x38;
	[tilespmem:$0x1E000] =	vst v63  }
0x54: {  	_ = 	snop  }
0x55: {  	[hbm4b:s11+s2] =	stream.linear.scatter [tilespmem:s16], [sflag:$0x4], $0xE000, $0x38;
	[tilespmem:$0x1E000] =	vst v63  }
0x56: {  	_ = 	snop  }
0x57: {  	[hbm4b:s12+s2] =	stream.linear.scatter [tilespmem:s16], [sflag:$0x4], $0xE000, $0x38;
	[tilespmem:$0x1E000] =	vst v63  }
0x58: {  	_ = 	snop  }
0x59: {  	[hbm4b:s13+s2] =	stream.linear.scatter [tilespmem:s16], [sflag:$0x4], $0xE000, $0x38;
	[tilespmem:$0x1E000] =	vst v63  }
0x5a: {  	_ =	swait.ge [sflag:s3], $0x10000  }
0x5b: {  	[sflag:s3] =	ssyncset.done $0x0  }
0x5c: {  	[sflag:s3] =	ssyncadd.s32 $0xFFFF0000  }
0x5d: {  	_ =	swait.ge [sflag:s3], $0x10000  }
0x5e: {  	[sflag:s3] =	ssyncset.done $0x0  }
0x5f: {  	[sflag:s3] =	ssyncadd.s32 $0xFFFF0000  }
0x60: {  	_ =	swait.ge [sflag:s3], $0x10000  }
0x61: {  	[sflag:s3] =	ssyncset.done $0x0  }
0x62: {  	[sflag:s3] =	ssyncadd.s32 $0xFFFF0000  }
0x63: {  	_ =	swait.ge [sflag:s3], $0x10000  }
0x64: {  	[sflag:s3] =	ssyncset.done $0x0  }
0x65: {  	[sflag:s3] =	ssyncadd.s32 $0xFFFF0000  }
0x66: {  	[tilespmem:s2], [sflag:$0x1] =	stream.linear.gather [hbm4b:s8+s2], $0x4000, $0x38;
	[tilespmem:$0x1E000] =	vst v63  }
0x67: {  	_ =	swait.ge [sflag:s10], $0x4000  }
0x68: {  	[sflag:s10] =	ssyncset.done $0x0  }
0x69: {  	[sflag:s10] =	ssyncadd.s32 $0xFFFFC000  }
0x6a: {  	[hbm4b:s5+s2] =	stream.linear.scatter [tilespmem:s2], [sflag:$0x3], $0x4000, $0x38;
	[tilespmem:$0x1E000] =	vst v63  }
0x6b: {  	_ = 	snop  }
0x6c: {  	[hbm4b:s6+s2] =	stream.linear.scatter [tilespmem:s2], [sflag:$0x3], $0x4000, $0x38;
	[tilespmem:$0x1E000] =	vst v63  }
0x6d: {  	_ = 	snop  }
0x6e: {  	[hbm4b:s7+s2] =	stream.linear.scatter [tilespmem:s2], [sflag:$0x3], $0x4000, $0x38;
	[tilespmem:$0x1E000] =	vst v63  }
0x6f: {  	_ = 	snop  }
0x70: {  	[hbm4b:s9+s2] =	stream.linear.scatter [tilespmem:s2], [sflag:$0x3], $0x4000, $0x38;
	[tilespmem:$0x1E000] =	vst v63  }
0x71: {  	_ =	swait.ge [sflag:s4], $0xE000  }
0x72: {  	[sflag:s4] =	ssyncset.done $0x0  }
0x73: {  	[sflag:s4] =	ssyncadd.s32 $0xFFFF2000  }
0x74: {  	_ =	swait.ge [sflag:s4], $0xE000  }
0x75: {  	[sflag:s4] =	ssyncset.done $0x0  }
0x76: {  	[sflag:s4] =	ssyncadd.s32 $0xFFFF2000  }
0x77: {  	_ =	swait.ge [sflag:s4], $0xE000  }
0x78: {  	[sflag:s4] =	ssyncset.done $0x0  }
0x79: {  	[sflag:s4] =	ssyncadd.s32 $0xFFFF2000  }
0x7a: {  	_ =	swait.ge [sflag:s4], $0xE000  }
0x7b: {  	[sflag:s4] =	ssyncset.done $0x0  }
0x7c: {  	[sflag:s4] =	ssyncadd.s32 $0xFFFF2000  }
0x7d: {  	_ =	swait.ge [sflag:s3], $0x4000  }
0x7e: {  	[sflag:s3] =	ssyncset.done $0x0  }
0x7f: {  	[sflag:s3] =	ssyncadd.s32 $0xFFFFC000  }
0x80: {  	_ =	swait.ge [sflag:s3], $0x4000  }
0x81: {  	[sflag:s3] =	ssyncset.done $0x0  }
0x82: {  	p1 =	sne.s32 s0, $0x1;
	[sflag:s3] =	ssyncadd.s32 $0xFFFFC000  }
.Ltmp1:
0x83: {  	_ =	swait.ge [sflag:s3], $0x4000;
	(pc) =	sbr.rel @!p1 .LBB2_3-.Ltmp1, $4  }
0x84: {  	[sflag:s3] =	ssyncset.done $0x0  }
0x85: {  	[sflag:s3] =	ssyncadd.s32 $0xFFFFC000  }
0x86: {  	s0 =	sadd.s32 $0xFFFFFFFF, s0;
	_ =	swait.ge [sflag:s3], $0x4000  }
0x87: {  	p0 =	por $0x1, $0x1;
	s1 =	rddreg [dreg:$0x3];
	[sflag:s3] =	ssyncset.done $0x0  }
.LBB2_2:
0x88: {  	[sflag:s3] =	ssyncadd.s32 $0xFFFFC000  }
0x89: {  	[tilespmem:s2], [sflag:$0x1] =	stream.linear.gather [hbm4b:s1+s2], $0x10000, $0x38;
	[tilespmem:$0x1E000] =	vst v63  }
0x8a: {  	_ =	swait.ge [sflag:s10], $0x10000  }
0x8b: {  	[sflag:s10] =	ssyncset.done $0x0  }
0x8c: {  	[sflag:s10] =	ssyncadd.s32 $0xFFFF0000  }
0x8d: {  	[hbm4b:s23+s2] =	stream.linear.scatter [tilespmem:s2], [sflag:$0x3], $0x10000, $0x38;
	[tilespmem:$0x1E000] =	vst v63  }
0x8e: {  	s1 =	rddreg [dreg:$0x4]  }
0x8f: {  	[hbm4b:s1+s2] =	stream.linear.scatter [tilespmem:s2], [sflag:$0x3], $0x10000, $0x38;
	[tilespmem:$0x1E000] =	vst v63  }
0x90: {  	_ = 	snop  }
0x91: {  	[hbm4b:s29+s2] =	stream.linear.scatter [tilespmem:s2], [sflag:$0x3], $0x10000, $0x38;
	[tilespmem:$0x1E000] =	vst v63  }
0x92: {  	_ = 	snop  }
0x93: {  	[hbm4b:s30+s2] =	stream.linear.scatter [tilespmem:s2], [sflag:$0x3], $0x10000, $0x38;
	[tilespmem:$0x1E000] =	vst v63  }
0x94: {  	_ = 	snop  }
0x95: {  	[tilespmem:s16], [sflag:$0x2] =	stream.linear.gather [hbm4b:s31+s2], $0xE000, $0x38;
	[tilespmem:$0x1E000] =	vst v63  }
0x96: {  	_ =	swait.ge [sflag:s22], $0xE000  }
0x97: {  	[sflag:s22] =	ssyncset.done $0x0  }
0x98: {  	[sflag:s22] =	ssyncadd.s32 $0xFFFF2000  }
0x99: {  	[hbm4b:s24+s2] =	stream.linear.scatter [tilespmem:s16], [sflag:$0x4], $0xE000, $0x38;
	[tilespmem:$0x1E000] =	vst v63  }
0x9a: {  	_ = 	snop  }
0x9b: {  	[hbm4b:s25+s2] =	stream.linear.scatter [tilespmem:s16], [sflag:$0x4], $0xE000, $0x38;
	[tilespmem:$0x1E000] =	vst v63  }
0x9c: {  	_ = 	snop  }
0x9d: {  	[hbm4b:s26+s2] =	stream.linear.scatter [tilespmem:s16], [sflag:$0x4], $0xE000, $0x38;
	[tilespmem:$0x1E000] =	vst v63  }
0x9e: {  	_ = 	snop  }
0x9f: {  	[hbm4b:s28+s2] =	stream.linear.scatter [tilespmem:s16], [sflag:$0x4], $0xE000, $0x38;
	[tilespmem:$0x1E000] =	vst v63  }
0xa0: {  	_ =	swait.ge [sflag:s3], $0x10000  }
0xa1: {  	[sflag:s3] =	ssyncset.done $0x0  }
0xa2: {  	[sflag:s3] =	ssyncadd.s32 $0xFFFF0000  }
0xa3: {  	_ =	swait.ge [sflag:s3], $0x10000  }
0xa4: {  	[sflag:s3] =	ssyncset.done $0x0  }
0xa5: {  	[sflag:s3] =	ssyncadd.s32 $0xFFFF0000  }
0xa6: {  	_ =	swait.ge [sflag:s3], $0x10000  }
0xa7: {  	[sflag:s3] =	ssyncset.done $0x0  }
0xa8: {  	[sflag:s3] =	ssyncadd.s32 $0xFFFF0000  }
0xa9: {  	_ =	swait.ge [sflag:s3], $0x10000  }
0xaa: {  	[sflag:s3] =	ssyncset.done $0x0  }
0xab: {  	[sflag:s3] =	ssyncadd.s32 $0xFFFF0000  }
0xac: {  	[tilespmem:s2], [sflag:$0x1] =	stream.linear.gather [hbm4b:s21+s2], $0x10000, $0x38;
	[tilespmem:$0x1E000] =	vst v63  }
0xad: {  	_ =	swait.ge [sflag:s10], $0x10000  }
0xae: {  	[sflag:s10] =	ssyncset.done $0x0  }
0xaf: {  	[sflag:s10] =	ssyncadd.s32 $0xFFFF0000  }
0xb0: {  	[hbm4b:s20+s2] =	stream.linear.scatter [tilespmem:s2], [sflag:$0x3], $0x10000, $0x38;
	[tilespmem:$0x1E000] =	vst v63  }
0xb1: {  	_ = 	snop  }
0xb2: {  	[hbm4b:s17+s2] =	stream.linear.scatter [tilespmem:s2], [sflag:$0x3], $0x10000, $0x38;
	[tilespmem:$0x1E000] =	vst v63  }
0xb3: {  	_ = 	snop  }
0xb4: {  	[hbm4b:s18+s2] =	stream.linear.scatter [tilespmem:s2], [sflag:$0x3], $0x10000, $0x38;
	[tilespmem:$0x1E000] =	vst v63  }
0xb5: {  	_ = 	snop  }
0xb6: {  	[hbm4b:s19+s2] =	stream.linear.scatter [tilespmem:s2], [sflag:$0x3], $0x10000, $0x38;
	[tilespmem:$0x1E000] =	vst v63  }
0xb7: {  	_ =	swait.ge [sflag:s4], $0xE000  }
0xb8: {  	[sflag:s4] =	ssyncset.done $0x0  }
0xb9: {  	[sflag:s4] =	ssyncadd.s32 $0xFFFF2000  }
0xba: {  	_ =	swait.ge [sflag:s4], $0xE000  }
0xbb: {  	[sflag:s4] =	ssyncset.done $0x0  }
0xbc: {  	[sflag:s4] =	ssyncadd.s32 $0xFFFF2000  }
0xbd: {  	_ =	swait.ge [sflag:s4], $0xE000  }
0xbe: {  	[sflag:s4] =	ssyncset.done $0x0  }
0xbf: {  	[sflag:s4] =	ssyncadd.s32 $0xFFFF2000  }
0xc0: {  	_ =	swait.ge [sflag:s4], $0xE000  }
0xc1: {  	[sflag:s4] =	ssyncset.done $0x0  }
0xc2: {  	[sflag:s4] =	ssyncadd.s32 $0xFFFF2000  }
0xc3: {  	[tilespmem:s16], [sflag:$0x2] =	stream.linear.gather [hbm4b:s15+s2], $0xE000, $0x38;
	[tilespmem:$0x1E000] =	vst v63  }
0xc4: {  	_ =	swait.ge [sflag:s22], $0xE000  }
0xc5: {  	[sflag:s22] =	ssyncset.done $0x0  }
0xc6: {  	[sflag:s22] =	ssyncadd.s32 $0xFFFF2000  }
0xc7: {  	[hbm4b:s14+s2] =	stream.linear.scatter [tilespmem:s16], [sflag:$0x4], $0xE000, $0x38;
	[tilespmem:$0x1E000] =	vst v63  }
0xc8: {  	_ = 	snop  }
0xc9: {  	[hbm4b:s11+s2] =	stream.linear.scatter [tilespmem:s16], [sflag:$0x4], $0xE000, $0x38;
	[tilespmem:$0x1E000] =	vst v63  }
0xca: {  	_ = 	snop  }
0xcb: {  	[hbm4b:s12+s2] =	stream.linear.scatter [tilespmem:s16], [sflag:$0x4], $0xE000, $0x38;
	[tilespmem:$0x1E000] =	vst v63  }
0xcc: {  	_ = 	snop  }
0xcd: {  	[hbm4b:s13+s2] =	stream.linear.scatter [tilespmem:s16], [sflag:$0x4], $0xE000, $0x38;
	[tilespmem:$0x1E000] =	vst v63  }
0xce: {  	_ =	swait.ge [sflag:s3], $0x10000  }
0xcf: {  	[sflag:s3] =	ssyncset.done $0x0  }
0xd0: {  	[sflag:s3] =	ssyncadd.s32 $0xFFFF0000  }
0xd1: {  	_ =	swait.ge [sflag:s3], $0x10000  }
0xd2: {  	[sflag:s3] =	ssyncset.done $0x0  }
0xd3: {  	[sflag:s3] =	ssyncadd.s32 $0xFFFF0000  }
0xd4: {  	_ =	swait.ge [sflag:s3], $0x10000  }
0xd5: {  	[sflag:s3] =	ssyncset.done $0x0  }
0xd6: {  	[sflag:s3] =	ssyncadd.s32 $0xFFFF0000  }
0xd7: {  	_ =	swait.ge [sflag:s3], $0x10000  }
0xd8: {  	[sflag:s3] =	ssyncset.done $0x0  }
0xd9: {  	[sflag:s3] =	ssyncadd.s32 $0xFFFF0000  }
0xda: {  	[tilespmem:s2], [sflag:$0x1] =	stream.linear.gather [hbm4b:s8+s2], $0x4000, $0x38;
	[tilespmem:$0x1E000] =	vst v63  }
0xdb: {  	_ =	swait.ge [sflag:s10], $0x4000  }
0xdc: {  	[sflag:s10] =	ssyncset.done $0x0  }
0xdd: {  	[sflag:s10] =	ssyncadd.s32 $0xFFFFC000  }
0xde: {  	[hbm4b:s5+s2] =	stream.linear.scatter [tilespmem:s2], [sflag:$0x3], $0x4000, $0x38;
	[tilespmem:$0x1E000] =	vst v63  }
0xdf: {  	_ = 	snop  }
0xe0: {  	[hbm4b:s6+s2] =	stream.linear.scatter [tilespmem:s2], [sflag:$0x3], $0x4000, $0x38;
	[tilespmem:$0x1E000] =	vst v63  }
0xe1: {  	_ = 	snop  }
0xe2: {  	[hbm4b:s7+s2] =	stream.linear.scatter [tilespmem:s2], [sflag:$0x3], $0x4000, $0x38;
	[tilespmem:$0x1E000] =	vst v63  }
0xe3: {  	_ = 	snop  }
0xe4: {  	[hbm4b:s9+s2] =	stream.linear.scatter [tilespmem:s2], [sflag:$0x3], $0x4000, $0x38;
	[tilespmem:$0x1E000] =	vst v63  }
0xe5: {  	_ =	swait.ge [sflag:s4], $0xE000  }
0xe6: {  	[sflag:s4] =	ssyncset.done $0x0  }
0xe7: {  	[sflag:s4] =	ssyncadd.s32 $0xFFFF2000  }
0xe8: {  	_ =	swait.ge [sflag:s4], $0xE000  }
0xe9: {  	[sflag:s4] =	ssyncset.done $0x0  }
0xea: {  	[sflag:s4] =	ssyncadd.s32 $0xFFFF2000  }
0xeb: {  	_ =	swait.ge [sflag:s4], $0xE000  }
0xec: {  	[sflag:s4] =	ssyncset.done $0x0  }
0xed: {  	[sflag:s4] =	ssyncadd.s32 $0xFFFF2000  }
0xee: {  	_ =	swait.ge [sflag:s4], $0xE000  }
0xef: {  	[sflag:s4] =	ssyncset.done $0x0  }
0xf0: {  	[sflag:s4] =	ssyncadd.s32 $0xFFFF2000  }
0xf1: {  	_ =	swait.ge [sflag:s3], $0x4000  }
0xf2: {  	[sflag:s3] =	ssyncset.done $0x0  }
0xf3: {  	[sflag:s3] =	ssyncadd.s32 $0xFFFFC000  }
0xf4: {  	_ =	swait.ge [sflag:s3], $0x4000  }
0xf5: {  	[sflag:s3] =	ssyncset.done $0x0  }
0xf6: {  	p1 =	sne.s32 s0, $0x1;
	[sflag:s3] =	ssyncadd.s32 $0xFFFFC000  }
.Ltmp2:
0xf7: {  	_ =	swait.ge [sflag:s3], $0x4000;
	(pc) =	sbr.rel @p1 .LBB2_2-.Ltmp2, $4  }
0xf8: {  	[sflag:s3] =	ssyncset.done $0x0  }
0xf9: {  	[sflag:s3] =	ssyncadd.s32 $0xFFFFC000  }
0xfa: {  	_ =	swait.ge [sflag:s3], $0x4000  }
0xfb: {  	s0 =	sadd.s32 $0xFFFFFFFF, s0;
	s1 =	rddreg [dreg:$0x3];
	[sflag:s3] =	ssyncset.done $0x0  }
.LBB2_3:
0xfc: {  	[sflag:s3] =	ssyncadd.s32 @p0 $0xFFFFC000  }
0xfd: {  	[tilespmem:s2], [sflag:$0x1] =	stream.linear.gather [hbm4b:s1+s2], $0x10000, $0x38;
	[tilespmem:$0x1E000] =	vst v63  }
0xfe: {  	_ =	swait.ge [sflag:s10], $0x10000  }
0xff: {  	[sflag:s10] =	ssyncset.done $0x0  }
0x100: {  	[sflag:s10] =	ssyncadd.s32 $0xFFFF0000  }
0x101: {  	[hbm4b:s23+s2] =	stream.linear.scatter [tilespmem:s2], [sflag:$0x3], $0x10000, $0x38;
	[tilespmem:$0x1E000] =	vst v63  }
0x102: {  	s0 =	rddreg [dreg:$0x4]  }
0x103: {  	[hbm4b:s0+s2] =	stream.linear.scatter [tilespmem:s2], [sflag:$0x3], $0x10000, $0x38;
	[tilespmem:$0x1E000] =	vst v63  }
0x104: {  	_ = 	snop  }
0x105: {  	[hbm4b:s29+s2] =	stream.linear.scatter [tilespmem:s2], [sflag:$0x3], $0x10000, $0x38;
	[tilespmem:$0x1E000] =	vst v63  }
0x106: {  	_ = 	snop  }
0x107: {  	[hbm4b:s30+s2] =	stream.linear.scatter [tilespmem:s2], [sflag:$0x3], $0x10000, $0x38;
	[tilespmem:$0x1E000] =	vst v63  }
0x108: {  	_ = 	snop  }
0x109: {  	[tilespmem:s16], [sflag:$0x2] =	stream.linear.gather [hbm4b:s31+s2], $0xE000, $0x38;
	[tilespmem:$0x1E000] =	vst v63  }
0x10a: {  	_ =	swait.ge [sflag:s22], $0xE000  }
0x10b: {  	[sflag:s22] =	ssyncset.done $0x0  }
0x10c: {  	[sflag:s22] =	ssyncadd.s32 $0xFFFF2000  }
0x10d: {  	[hbm4b:s24+s2] =	stream.linear.scatter [tilespmem:s16], [sflag:$0x4], $0xE000, $0x38;
	[tilespmem:$0x1E000] =	vst v63  }
0x10e: {  	_ = 	snop  }
0x10f: {  	[hbm4b:s25+s2] =	stream.linear.scatter [tilespmem:s16], [sflag:$0x4], $0xE000, $0x38;
	[tilespmem:$0x1E000] =	vst v63  }
0x110: {  	_ = 	snop  }
0x111: {  	[hbm4b:s26+s2] =	stream.linear.scatter [tilespmem:s16], [sflag:$0x4], $0xE000, $0x38;
	[tilespmem:$0x1E000] =	vst v63  }
0x112: {  	_ = 	snop  }
0x113: {  	[hbm4b:s28+s2] =	stream.linear.scatter [tilespmem:s16], [sflag:$0x4], $0xE000, $0x38;
	[tilespmem:$0x1E000] =	vst v63  }
0x114: {  	_ =	swait.ge [sflag:s3], $0x10000  }
0x115: {  	[sflag:s3] =	ssyncset.done $0x0  }
0x116: {  	[sflag:s3] =	ssyncadd.s32 $0xFFFF0000  }
0x117: {  	_ =	swait.ge [sflag:s3], $0x10000  }
0x118: {  	[sflag:s3] =	ssyncset.done $0x0  }
0x119: {  	[sflag:s3] =	ssyncadd.s32 $0xFFFF0000  }
0x11a: {  	_ =	swait.ge [sflag:s3], $0x10000  }
0x11b: {  	[sflag:s3] =	ssyncset.done $0x0  }
0x11c: {  	[sflag:s3] =	ssyncadd.s32 $0xFFFF0000  }
0x11d: {  	_ =	swait.ge [sflag:s3], $0x10000  }
0x11e: {  	[sflag:s3] =	ssyncset.done $0x0  }
0x11f: {  	[sflag:s3] =	ssyncadd.s32 $0xFFFF0000  }
0x120: {  	[tilespmem:s2], [sflag:$0x1] =	stream.linear.gather [hbm4b:s21+s2], $0x10000, $0x38;
	[tilespmem:$0x1E000] =	vst v63  }
0x121: {  	_ =	swait.ge [sflag:s10], $0x10000  }
0x122: {  	[sflag:s10] =	ssyncset.done $0x0  }
0x123: {  	[sflag:s10] =	ssyncadd.s32 $0xFFFF0000  }
0x124: {  	[hbm4b:s20+s2] =	stream.linear.scatter [tilespmem:s2], [sflag:$0x3], $0x10000, $0x38;
	[tilespmem:$0x1E000] =	vst v63  }
0x125: {  	_ = 	snop  }
0x126: {  	[hbm4b:s17+s2] =	stream.linear.scatter [tilespmem:s2], [sflag:$0x3], $0x10000, $0x38;
	[tilespmem:$0x1E000] =	vst v63  }
0x127: {  	_ = 	snop  }
0x128: {  	[hbm4b:s18+s2] =	stream.linear.scatter [tilespmem:s2], [sflag:$0x3], $0x10000, $0x38;
	[tilespmem:$0x1E000] =	vst v63  }
0x129: {  	_ = 	snop  }
0x12a: {  	[hbm4b:s19+s2] =	stream.linear.scatter [tilespmem:s2], [sflag:$0x3], $0x10000, $0x38;
	[tilespmem:$0x1E000] =	vst v63  }
0x12b: {  	_ =	swait.ge [sflag:s4], $0xE000  }
0x12c: {  	[sflag:s4] =	ssyncset.done $0x0  }
0x12d: {  	[sflag:s4] =	ssyncadd.s32 $0xFFFF2000  }
0x12e: {  	_ =	swait.ge [sflag:s4], $0xE000  }
0x12f: {  	[sflag:s4] =	ssyncset.done $0x0  }
0x130: {  	[sflag:s4] =	ssyncadd.s32 $0xFFFF2000  }
0x131: {  	_ =	swait.ge [sflag:s4], $0xE000  }
0x132: {  	[sflag:s4] =	ssyncset.done $0x0  }
0x133: {  	[sflag:s4] =	ssyncadd.s32 $0xFFFF2000  }
0x134: {  	_ =	swait.ge [sflag:s4], $0xE000  }
0x135: {  	[sflag:s4] =	ssyncset.done $0x0  }
0x136: {  	[sflag:s4] =	ssyncadd.s32 $0xFFFF2000  }
0x137: {  	[tilespmem:s16], [sflag:$0x2] =	stream.linear.gather [hbm4b:s15+s2], $0xE000, $0x38;
	[tilespmem:$0x1E000] =	vst v63  }
0x138: {  	_ =	swait.ge [sflag:s22], $0xE000  }
0x139: {  	[sflag:s22] =	ssyncset.done $0x0  }
0x13a: {  	[sflag:s22] =	ssyncadd.s32 $0xFFFF2000  }
0x13b: {  	[hbm4b:s14+s2] =	stream.linear.scatter [tilespmem:s16], [sflag:$0x4], $0xE000, $0x38;
	[tilespmem:$0x1E000] =	vst v63  }
0x13c: {  	_ = 	snop  }
0x13d: {  	[hbm4b:s11+s2] =	stream.linear.scatter [tilespmem:s16], [sflag:$0x4], $0xE000, $0x38;
	[tilespmem:$0x1E000] =	vst v63  }
0x13e: {  	_ = 	snop  }
0x13f: {  	[hbm4b:s12+s2] =	stream.linear.scatter [tilespmem:s16], [sflag:$0x4], $0xE000, $0x38;
	[tilespmem:$0x1E000] =	vst v63  }
0x140: {  	_ = 	snop  }
0x141: {  	[hbm4b:s13+s2] =	stream.linear.scatter [tilespmem:s16], [sflag:$0x4], $0xE000, $0x38;
	[tilespmem:$0x1E000] =	vst v63  }
0x142: {  	_ =	swait.ge [sflag:s3], $0x10000  }
0x143: {  	[sflag:s3] =	ssyncset.done $0x0  }
0x144: {  	[sflag:s3] =	ssyncadd.s32 $0xFFFF0000  }
0x145: {  	_ =	swait.ge [sflag:s3], $0x10000  }
0x146: {  	[sflag:s3] =	ssyncset.done $0x0  }
0x147: {  	[sflag:s3] =	ssyncadd.s32 $0xFFFF0000  }
0x148: {  	_ =	swait.ge [sflag:s3], $0x10000  }
0x149: {  	[sflag:s3] =	ssyncset.done $0x0  }
0x14a: {  	[sflag:s3] =	ssyncadd.s32 $0xFFFF0000  }
0x14b: {  	_ =	swait.ge [sflag:s3], $0x10000  }
0x14c: {  	[sflag:s3] =	ssyncset.done $0x0  }
0x14d: {  	[sflag:s3] =	ssyncadd.s32 $0xFFFF0000  }
0x14e: {  	[tilespmem:s2], [sflag:$0x1] =	stream.linear.gather [hbm4b:s8+s2], $0x4000, $0x38;
	[tilespmem:$0x1E000] =	vst v63  }
0x14f: {  	_ =	swait.ge [sflag:s10], $0x4000  }
0x150: {  	[sflag:s10] =	ssyncset.done $0x0  }
0x151: {  	[sflag:s10] =	ssyncadd.s32 $0xFFFFC000  }
0x152: {  	[hbm4b:s5+s2] =	stream.linear.scatter [tilespmem:s2], [sflag:$0x3], $0x4000, $0x38;
	[tilespmem:$0x1E000] =	vst v63  }
0x153: {  	_ = 	snop  }
0x154: {  	[hbm4b:s6+s2] =	stream.linear.scatter [tilespmem:s2], [sflag:$0x3], $0x4000, $0x38;
	[tilespmem:$0x1E000] =	vst v63  }
0x155: {  	_ = 	snop  }
0x156: {  	[hbm4b:s7+s2] =	stream.linear.scatter [tilespmem:s2], [sflag:$0x3], $0x4000, $0x38;
	[tilespmem:$0x1E000] =	vst v63  }
0x157: {  	_ = 	snop  }
0x158: {  	[hbm4b:s9+s2] =	stream.linear.scatter [tilespmem:s2], [sflag:$0x3], $0x4000, $0x38;
	[tilespmem:$0x1E000] =	vst v63  }
0x159: {  	_ =	swait.ge [sflag:s4], $0xE000  }
0x15a: {  	[sflag:s4] =	ssyncset.done $0x0  }
0x15b: {  	[sflag:s4] =	ssyncadd.s32 $0xFFFF2000  }
0x15c: {  	_ =	swait.ge [sflag:s4], $0xE000  }
0x15d: {  	[sflag:s4] =	ssyncset.done $0x0  }
0x15e: {  	[sflag:s4] =	ssyncadd.s32 $0xFFFF2000  }
0x15f: {  	_ =	swait.ge [sflag:s4], $0xE000  }
0x160: {  	[sflag:s4] =	ssyncset.done $0x0  }
0x161: {  	[sflag:s4] =	ssyncadd.s32 $0xFFFF2000  }
0x162: {  	_ =	swait.ge [sflag:s4], $0xE000  }
0x163: {  	[sflag:s4] =	ssyncset.done $0x0  }
0x164: {  	[sflag:s4] =	ssyncadd.s32 $0xFFFF2000  }
0x165: {  	_ =	swait.ge [sflag:s3], $0x4000  }
0x166: {  	[sflag:s3] =	ssyncset.done $0x0  }
0x167: {  	[sflag:s3] =	ssyncadd.s32 $0xFFFFC000  }
0x168: {  	_ =	swait.ge [sflag:s3], $0x4000  }
0x169: {  	[sflag:s3] =	ssyncset.done $0x0  }
0x16a: {  	[sflag:s3] =	ssyncadd.s32 $0xFFFFC000  }
0x16b: {  	_ =	swait.ge [sflag:s3], $0x4000  }
0x16c: {  	[sflag:s3] =	ssyncset.done $0x0  }
0x16d: {  	[sflag:s3] =	ssyncadd.s32 $0xFFFFC000  }
0x16e: {  	_ =	swait.ge [sflag:s3], $0x4000  }
0x16f: {  	[sflag:s3] =	ssyncset.done $0x0  }
0x170: {  	[sflag:s3] =	ssyncadd.s32 $0xFFFFC000  }
0x171: {  	_ =	sfence.sel $0x180000  }
0x172: {  	[bflag:$0x0] =	sbarrier.arrive $0xFFFF  }
0x173: {  	_ =	strace $0x90000047  }
0x174: {  	s31 =	stileid.u32;
	[bflag:$0x2] =	sbarrier.arrive $0xFFFF  }
0x175: {  	p0 =	sne.s32 s31, $0x0;
	s0 =	rddreg [dreg:$0x2]  }
0x176: {  	s0 =	sadd.s32 @!p0 $0x100000, s0  }
0x177: {  	[sflag:s0] =	ssyncadd.tile.s32 @!p0 $0x1;
	_ =	shalt  }
.Lfunc_end2:
_tile_overlayer_lowered:
.L_overlay_start_2:
0x178: {  	(tag) =	ssettag $0x2  }
0x179: {  	s0 =	rddreg [dreg:$0x0];
	s2 =	stileid.u32  }
0x17a: {  	s1 =	rddreg [dreg:$0x1];
	p0 =	sne.s32 s2, $0x0  }
0x17b: {  	s3 =	rddreg [dreg:$0x2];
	[bflag:$0x3] =	sbarrier.arrive $0xFFFF;
	s2 =	simm.s32 @!p0 $0x1C05  }
0x17c: {  	[timem:s3], [sflag:s2] =	dma.local @!p0 [hbm:s0], s1  }
0x17d: {  	s0 =	simm.s32 @!p0 $0x5  }
0x17e: {  	_ =	swait.ge @!p0 [sflag:s0], s1  }
0x17f: {  	s1 =	ssub.s32 @!p0 $0x0, s1;
	[sflag:s0] =	ssyncset.done @!p0 $0x0  }
0x180: {  	[sflag:s0] =	ssyncadd.s32 @!p0 s1  }
0x181: {  	[bflag:$0x3] =	sbarrier.arrive $0xFFFF  }
0x182: {  	_ =	shalt  }

</sc_bundles>
